<compile_context>
chip_gen: v7x
topology: tpu7x:2x2x1
jax: 0.10.2.dev20260603
libtpu: 0.0.44.dev20260713+nightly
codegen_flags: <defaults>
</compile_context>

<pallas_src>
import functools

import jax
import jax.numpy as jnp
from jax import lax
from jax.experimental import pallas as pl
from jax.experimental.pallas import tpu as pltpu
from jax.experimental.pallas import tpu_sc as plsc

N = 10000
E = 320000
D1 = 128
D2 = 40

NC = 2
NS = 16
L = 16
NW = NC * NS

EPW = E // NW
CHUNK = 80
NCHUNK = EPW // CHUNK
NPAD = 10240
RPT = NPAD // NS
DPT = NPAD // NS

_MESH = plsc.VectorSubcoreMesh(
    core_axis_name="c", subcore_axis_name="s", num_cores=NC, num_subcores=NS)


@functools.partial(
    pl.kernel,
    out_type=jax.ShapeDtypeStruct((NC, NPAD), jnp.float32),
    mesh=_MESH,
    scratch_types=[
        pltpu.VMEM((CHUNK,), jnp.int32),
        pltpu.VMEM((CHUNK,), jnp.float32),
        pltpu.VMEM((DPT,), jnp.float32),
        pltpu.VMEM_SHARED((NPAD,), jnp.float32),
    ],
)
def _sc_degree(edge_hbm, out_hbm, col_v, ones_v, zfill_v, acc):
    cid = lax.axis_index("c")
    sid = lax.axis_index("s")
    wid = cid * NS + sid

    for j in range(CHUNK // L):
        ones_v[pl.ds(j * L, L)] = jnp.ones((L,), jnp.float32)
    for j in range(DPT // L):
        zfill_v[pl.ds(j * L, L)] = jnp.zeros((L,), jnp.float32)
    pltpu.sync_copy(zfill_v, acc.at[pl.ds(sid * DPT, DPT)])
    plsc.subcore_barrier()

    def chunk(g, carry):
        base = wid * EPW + g * CHUNK
        pltpu.sync_copy(edge_hbm.at[pl.ds(E + base, CHUNK)], col_v)
        pltpu.sync_copy(ones_v, acc.at[col_v], add=True)
        return carry

    lax.fori_loop(0, NCHUNK, chunk, 0)
    plsc.subcore_barrier()
    pltpu.sync_copy(acc.at[pl.ds(sid * DPT, DPT)],
                    out_hbm.at[cid, pl.ds(sid * DPT, DPT)])


def _make_sc_prop(d):
    @functools.partial(
        pl.kernel,
        out_type=jax.ShapeDtypeStruct((NC, NPAD, d), jnp.float32),
        mesh=_MESH,
        scratch_types=[
            pltpu.VMEM((CHUNK,), jnp.int32),
            pltpu.VMEM((CHUNK,), jnp.int32),
            pltpu.VMEM((CHUNK, d), jnp.float32),
            pltpu.VMEM_SHARED((NPAD, d), jnp.float32),
            pltpu.SemaphoreType.DMA,
        ],
    )
    def _sc_prop(edge_hbm, y_hbm, zeros_hbm, out_hbm,
                 row_v, col_v, rows_v, acc, sem):
        cid = lax.axis_index("c")
        sid = lax.axis_index("s")
        wid = cid * NS + sid

        pltpu.sync_copy(zeros_hbm, acc.at[pl.ds(sid * RPT, RPT)])
        plsc.subcore_barrier()

        def chunk(g, carry):
            base = wid * EPW + g * CHUNK
            pltpu.sync_copy(edge_hbm.at[pl.ds(base, CHUNK)], row_v)
            pltpu.sync_copy(edge_hbm.at[pl.ds(E + base, CHUNK)], col_v)
            pltpu.async_copy(y_hbm.at[row_v], rows_v, sem).wait()
            pltpu.sync_copy(rows_v, acc.at[col_v], add=True)
            return carry

        lax.fori_loop(0, NCHUNK, chunk, 0)
        plsc.subcore_barrier()
        pltpu.sync_copy(acc.at[pl.ds(sid * RPT, RPT)],
                        out_hbm.at[cid, pl.ds(sid * RPT, RPT)])

    return _sc_prop


_sc_prop1 = _make_sc_prop(D1)
_sc_prop2 = _sc_prop1


def _tc_a_body(x_ref, w1_ref, degp_ref, y_ref, dinv_ref):
    deg = degp_ref[0] + degp_ref[1] + 1.0
    dinv = lax.rsqrt(deg)
    dinv_ref[...] = dinv
    xw = jnp.dot(x_ref[...], w1_ref[...], preferred_element_type=jnp.float32)
    y_ref[...] = xw * dinv[:N]


def _tc_b_body(accp_ref, y_ref, dinv_ref, b1_ref, gamma_ref, beta_ref,
               u_ref):
    dinv = dinv_ref[:N]
    s = dinv * (accp_ref[0, :N] + accp_ref[1, :N] + y_ref[...]) + b1_ref[...]
    mean = jnp.mean(s, axis=0, keepdims=True)
    var = jnp.mean((s - mean) * (s - mean), axis=0, keepdims=True)
    h = (s - mean) * (gamma_ref[...] / jnp.sqrt(var + 1e-5)) + beta_ref[...]
    h = jnp.maximum(h, 0.0)
    u_ref[...] = h * dinv


def _tc_c_body(accp_ref, u_ref, dinv_ref, w2_ref, b2_ref, out_ref):
    t = accp_ref[0, :N] + accp_ref[1, :N] + u_ref[...]
    out_ref[...] = (dinv_ref[:N]
                    * jnp.dot(t, w2_ref[...], preferred_element_type=jnp.float32)
                    + b2_ref[...])


def kernel(x, edge_index, W1, b1, gamma, beta, W2, b2):
    edge_flat = edge_index.reshape(2 * E)
    degp = _sc_degree(edge_flat)
    degp = degp.reshape(NC, NPAD, 1)

    y, dinv = pl.pallas_call(
        _tc_a_body,
        out_shape=(jax.ShapeDtypeStruct((N, D1), jnp.float32),
                   jax.ShapeDtypeStruct((NPAD, 1), jnp.float32)),
    )(x, W1, degp)

    zeros1 = jnp.zeros((RPT, D1), jnp.float32)
    accp1 = _sc_prop1(edge_flat, y, zeros1)

    u = pl.pallas_call(
        _tc_b_body,
        out_shape=jax.ShapeDtypeStruct((N, D1), jnp.float32),
    )(accp1, y, dinv, b1.reshape(1, D1), gamma.reshape(1, D1),
      beta.reshape(1, D1))

    accp2 = _sc_prop2(edge_flat, u, zeros1)

    out = pl.pallas_call(
        _tc_c_body,
        out_shape=jax.ShapeDtypeStruct((N, D2), jnp.float32),
    )(accp2, u, dinv, W2, b2.reshape(1, D2))
    return out

# --- scband reference (transcript-rebuilt; emitter-appended) ---
"""Pipeline reference for scband-gnnsafe-20263655703366 (READ-ONLY COPY).

The authoritative reference and input builder live on the scoring server;
editing this copy changes nothing except your own understanding.
"""

import jax, jax.numpy as jnp
import numpy as np

N = 10000
E = 320000
D_IN = 128
D_HID = 128
N_CLASSES = 40


def setup_inputs(seed: int = 0):
    key = jax.random.key(seed)
    ks = jax.random.split(key, 8)
    x = jax.random.normal(ks[0], (N, D_IN), dtype=jnp.float32)
    edge_index = jax.random.randint(ks[1], (2, E), 0, N, dtype=jnp.int32)
    W1 = jax.random.normal(ks[2], (D_IN, D_HID), dtype=jnp.float32) * (1.0 / np.sqrt(D_IN))
    b1 = jnp.zeros((D_HID,), dtype=jnp.float32)
    gamma = jnp.ones((D_HID,), dtype=jnp.float32)
    beta = jnp.zeros((D_HID,), dtype=jnp.float32)
    W2 = jax.random.normal(ks[3], (D_HID, N_CLASSES), dtype=jnp.float32) * (1.0 / np.sqrt(D_HID))
    b2 = jnp.zeros((N_CLASSES,), dtype=jnp.float32)
    return {"x": x, "edge_index": edge_index, "W1": W1, "b1": b1,
            "gamma": gamma, "beta": beta, "W2": W2, "b2": b2}


def gcn_conv(x, edge_index, W, b):
    # GCNConv: D^{-1/2} (A + I) D^{-1/2} X W + b  (symmetric normalization, self-loops)
    row = edge_index[0]
    col = edge_index[1]
    loop = jnp.arange(N, dtype=edge_index.dtype)
    row2 = jnp.concatenate([row, loop])
    col2 = jnp.concatenate([col, loop])
    deg = jax.ops.segment_sum(jnp.ones_like(row2, dtype=jnp.float32), col2, num_segments=N)
    dinv = jnp.where(deg > 0, 1.0 / jnp.sqrt(deg), 0.0)
    norm = dinv[row2] * dinv[col2]
    xw = x @ W
    msg = xw[row2] * norm[:, None]
    out = jax.ops.segment_sum(msg, col2, num_segments=N)
    return out + b


def batch_norm(x, gamma, beta, eps=1e-5):
    mean = jnp.mean(x, axis=0)
    var = jnp.var(x, axis=0)
    return (x - mean) / jnp.sqrt(var + eps) * gamma + beta


def reference(x, edge_index, W1, b1, gamma, beta, W2, b2):
    h = gcn_conv(x, edge_index, W1, b1)
    h = batch_norm(h, gamma, beta)
    h = jax.nn.relu(h)
    # dropout is identity in eval mode
    out = gcn_conv(h, edge_index, W2, b2)
    return out

if __name__ == "__main__":
    import jax
    _d = setup_inputs()
    print(jax.jit(kernel)(*tuple(_d.values())))

</pallas_src>

<mosaic_0001>
#map = affine_map<(d0, d1) -> (0)>
#map1 = affine_map<(d0, d1) -> (0, 0)>
#map2 = affine_map<(d0, d1) -> (0, 0, 0)>
module attributes {stable_mosaic.version = 14 : i64} {
  func.func @_sc_prop(%arg0: i32, %arg1: i32, %arg2: memref<640000xi32, #tpu.memory_space<hbm>>, %arg3: memref<10000x128xf32, #tpu.memory_space<hbm>>, %arg4: memref<640x128xf32, #tpu.memory_space<hbm>>, %arg5: memref<2x10240x128xf32, #tpu.memory_space<hbm>>, %arg6: memref<80xi32, #tpu.memory_space<vmem>>, %arg7: memref<80xi32, #tpu.memory_space<vmem>>, %arg8: memref<80x128xf32, #tpu.memory_space<vmem>>, %arg9: memref<10240x128xf32, #tpu.memory_space<vmem_shared>>, %arg10: memref<!tpu.dma_semaphore, #tpu.memory_space<semaphore_mem>>) attributes {dimension_semantics = [#tpu.dimension_semantics<core_parallel>, #tpu.dimension_semantics<subcore_parallel>], iteration_bounds = array<i64: 2, 16>, scalar_prefetch = 0 : i64, scratch_operands = 5 : i64, tpu.core_type = #tpu.core_type<sc_vector_subcore>, window_params = [{transform_indices = #map}, {transform_indices = #map1}, {transform_indices = #map1}, {transform_indices = #map2}]} {
    %mul3A = arith.constant 16 : i32
    %mul3A_0 = arith.muli %arg0, %mul3A : i32
    %add3A = arith.addi %mul3A_0, %arg1 : i32
    %mul3A_1 = arith.constant 640 : i32
    %mul3A_2 = arith.muli %arg1, %mul3A_1 : i32
    "tpu.region"() ({
      %run_scoped3A = tpu.sem_alloc : memref<!tpu.dma_semaphore, #tpu.memory_space<semaphore_mem>>
      %dma_start3A = arith.constant 0 : i32
      %dma_start3A_13 = tpu.memref_slice %arg9[%mul3A_2, %dma_start3A] : memref<10240x128xf32, #tpu.memory_space<vmem_shared>> -> memref<640x128xf32, #tpu.memory_space<vmem_shared>>
      tpu.enqueue_dma source(%arg4 : memref<640x128xf32, #tpu.memory_space<hbm>>) target(%dma_start3A_13 : memref<640x128xf32, #tpu.memory_space<vmem_shared>>) target_semaphore(%run_scoped3A : memref<!tpu.dma_semaphore, #tpu.memory_space<semaphore_mem>>)
      %dma_wait3A = arith.constant 0 : i32
      %dma_wait3A_14 = tpu.memref_slice %arg9[%mul3A_2, %dma_wait3A] : memref<10240x128xf32, #tpu.memory_space<vmem_shared>> -> memref<640x128xf32, #tpu.memory_space<vmem_shared>>
      tpu.wait_dma2 semaphore(%run_scoped3A : memref<!tpu.dma_semaphore, #tpu.memory_space<semaphore_mem>>) src(%arg4 : memref<640x128xf32, #tpu.memory_space<hbm>>) dst(%dma_wait3A_14 : memref<640x128xf32, #tpu.memory_space<vmem_shared>>)
      tpu.yield
    }) : () -> ()
    %barrier3A = arith.constant 0 : index
    tpu.barrier barrier_id(%barrier3A)
    %scan3A = arith.constant 0 : i32
    %scan3A_3 = arith.constant 0 : i32
    %scan3A_4 = arith.constant 125 : i32
    %scan3A_5 = arith.addi %scan3A_3, %scan3A_4 : i32
    %scan3A_6 = arith.constant 1 : i32
    scf.for %scan3A_13 = %scan3A_3 to %scan3A_5 step %scan3A_6  : i32 {
      %mul3A_14 = arith.constant 10000 : i32
      %mul3A_15 = arith.muli %add3A, %mul3A_14 : i32
      %mul3A_16 = arith.constant 80 : i32
      %mul3A_17 = arith.muli %scan3A_13, %mul3A_16 : i32
      %add3A_18 = arith.addi %mul3A_15, %mul3A_17 : i32
      "tpu.region"() ({
        %run_scoped3A = tpu.sem_alloc : memref<!tpu.dma_semaphore, #tpu.memory_space<semaphore_mem>>
        %dma_start3A_25 = tpu.memref_slice %arg2[%add3A_18] : memref<640000xi32, #tpu.memory_space<hbm>> -> memref<80xi32, #tpu.memory_space<hbm>>
        %dma_start3A_26 = tpu.memref_slice %arg2[%add3A_18] : memref<640000xi32, #tpu.memory_space<hbm>> -> memref<80xi32, #tpu.memory_space<hbm>>
        tpu.enqueue_dma source(%dma_start3A_26 : memref<80xi32, #tpu.memory_space<hbm>>) target(%arg6 : memref<80xi32, #tpu.memory_space<vmem>>) target_semaphore(%run_scoped3A : memref<!tpu.dma_semaphore, #tpu.memory_space<semaphore_mem>>)
        %dma_wait3A_27 = tpu.memref_slice %arg2[%add3A_18] : memref<640000xi32, #tpu.memory_space<hbm>> -> memref<80xi32, #tpu.memory_space<hbm>>
        %dma_wait3A_28 = tpu.memref_slice %arg2[%add3A_18] : memref<640000xi32, #tpu.memory_space<hbm>> -> memref<80xi32, #tpu.memory_space<hbm>>
        tpu.wait_dma2 semaphore(%run_scoped3A : memref<!tpu.dma_semaphore, #tpu.memory_space<semaphore_mem>>) src(%dma_wait3A_28 : memref<80xi32, #tpu.memory_space<hbm>>) dst(%arg6 : memref<80xi32, #tpu.memory_space<vmem>>)
        tpu.yield
      }) : () -> ()
      %add3A_19 = arith.constant 320000 : i32
      %add3A_20 = arith.addi %add3A_19, %add3A_18 : i32
      "tpu.region"() ({
        %run_scoped3A = tpu.sem_alloc : memref<!tpu.dma_semaphore, #tpu.memory_space<semaphore_mem>>
        %dma_start3A_25 = tpu.memref_slice %arg2[%add3A_20] : memref<640000xi32, #tpu.memory_space<hbm>> -> memref<80xi32, #tpu.memory_space<hbm>>
        %dma_start3A_26 = tpu.memref_slice %arg2[%add3A_20] : memref<640000xi32, #tpu.memory_space<hbm>> -> memref<80xi32, #tpu.memory_space<hbm>>
        tpu.enqueue_dma source(%dma_start3A_26 : memref<80xi32, #tpu.memory_space<hbm>>) target(%arg7 : memref<80xi32, #tpu.memory_space<vmem>>) target_semaphore(%run_scoped3A : memref<!tpu.dma_semaphore, #tpu.memory_space<semaphore_mem>>)
        %dma_wait3A_27 = tpu.memref_slice %arg2[%add3A_20] : memref<640000xi32, #tpu.memory_space<hbm>> -> memref<80xi32, #tpu.memory_space<hbm>>
        %dma_wait3A_28 = tpu.memref_slice %arg2[%add3A_20] : memref<640000xi32, #tpu.memory_space<hbm>> -> memref<80xi32, #tpu.memory_space<hbm>>
        tpu.wait_dma2 semaphore(%run_scoped3A : memref<!tpu.dma_semaphore, #tpu.memory_space<semaphore_mem>>) src(%dma_wait3A_28 : memref<80xi32, #tpu.memory_space<hbm>>) dst(%arg7 : memref<80xi32, #tpu.memory_space<vmem>>)
        tpu.yield
      }) : () -> ()
      %dma_start3A = arith.constant 0 : i32
      %dma_start3A_21 = arith.constant 0 : i32
      %dma_start3A_22 = tpu.memref_slice %arg3[%dma_start3A, %dma_start3A_21] : memref<10000x128xf32, #tpu.memory_space<hbm>> -> memref<10000x128xf32, #tpu.memory_space<hbm>>
      tpu.enqueue_indirect_dma source(%dma_start3A_22 : memref<10000x128xf32, #tpu.memory_space<hbm>>) target(%arg8 : memref<80x128xf32, #tpu.memory_space<vmem>>) offsets(%arg6 : memref<80xi32, #tpu.memory_space<vmem>>) semaphore(%arg10 : memref<!tpu.dma_semaphore, #tpu.memory_space<semaphore_mem>>)
      %dma_wait3A = arith.constant 0 : i32
      %dma_wait3A_23 = arith.constant 0 : i32
      %dma_wait3A_24 = tpu.memref_slice %arg3[%dma_wait3A, %dma_wait3A_23] : memref<10000x128xf32, #tpu.memory_space<hbm>> -> memref<10000x128xf32, #tpu.memory_space<hbm>>
      tpu.wait_indirect_dma semaphore(%arg10 : memref<!tpu.dma_semaphore, #tpu.memory_space<semaphore_mem>>) src(%dma_wait3A_24 : memref<10000x128xf32, #tpu.memory_space<hbm>>) dst(%arg8 : memref<80x128xf32, #tpu.memory_space<vmem>>)
      "tpu.region"() ({
        %run_scoped3A = tpu.sem_alloc : memref<!tpu.dma_semaphore, #tpu.memory_space<semaphore_mem>>
        %dma_start3A_25 = arith.constant 0 : i32
        %dma_start3A_26 = arith.constant 0 : i32
        %dma_start3A_27 = tpu.memref_slice %arg9[%dma_start3A_25, %dma_start3A_26] : memref<10240x128xf32, #tpu.memory_space<vmem_shared>> -> memref<10240x128xf32, #tpu.memory_space<vmem_shared>>
        tpu.enqueue_indirect_dma source(%arg8 : memref<80x128xf32, #tpu.memory_space<vmem>>) target(%dma_start3A_27 : memref<10240x128xf32, #tpu.memory_space<vmem_shared>>) offsets(%arg7 : memref<80xi32, #tpu.memory_space<vmem>>) semaphore(%run_scoped3A : memref<!tpu.dma_semaphore, #tpu.memory_space<semaphore_mem>>) {add = true}
        %dma_wait3A_28 = arith.constant 0 : i32
        %dma_wait3A_29 = arith.constant 0 : i32
        %dma_wait3A_30 = tpu.memref_slice %arg9[%dma_wait3A_28, %dma_wait3A_29] : memref<10240x128xf32, #tpu.memory_space<vmem_shared>> -> memref<10240x128xf32, #tpu.memory_space<vmem_shared>>
        tpu.wait_indirect_dma semaphore(%run_scoped3A : memref<!tpu.dma_semaphore, #tpu.memory_space<semaphore_mem>>) src(%arg8 : memref<80x128xf32, #tpu.memory_space<vmem>>) dst(%dma_wait3A_30 : memref<10240x128xf32, #tpu.memory_space<vmem_shared>>)
        tpu.yield
      }) : () -> ()
    }
    %scan3A_7 = arith.constant 125 : i32
    %barrier3A_8 = arith.constant 0 : index
    tpu.barrier barrier_id(%barrier3A_8)
    %mul3A_9 = arith.constant 640 : i32
    %mul3A_10 = arith.muli %arg1, %mul3A_9 : i32
    %mul3A_11 = arith.constant 640 : i32
    %mul3A_12 = arith.muli %arg1, %mul3A_11 : i32
    "tpu.region"() ({
      %run_scoped3A = tpu.sem_alloc : memref<!tpu.dma_semaphore, #tpu.memory_space<semaphore_mem>>
      %dma_start3A = arith.constant 0 : i32
      %dma_start3A_13 = tpu.memref_slice %arg5[%arg0, %mul3A_12, %dma_start3A] : memref<2x10240x128xf32, #tpu.memory_space<hbm>> -> memref<1x640x128xf32, #tpu.memory_space<hbm>>
      %dma_start3A_14 = tpu.memref_squeeze %dma_start3A_13 : memref<1x640x128xf32, #tpu.memory_space<hbm>> -> memref<640x128xf32, #tpu.memory_space<hbm>>
      %dma_start3A_15 = arith.constant 0 : i32
      %dma_start3A_16 = tpu.memref_slice %arg9[%mul3A_10, %dma_start3A_15] : memref<10240x128xf32, #tpu.memory_space<vmem_shared>> -> memref<640x128xf32, #tpu.memory_space<vmem_shared>>
      tpu.enqueue_dma source(%dma_start3A_16 : memref<640x128xf32, #tpu.memory_space<vmem_shared>>) target(%dma_start3A_14 : memref<640x128xf32, #tpu.memory_space<hbm>>) target_semaphore(%run_scoped3A : memref<!tpu.dma_semaphore, #tpu.memory_space<semaphore_mem>>)
      %dma_wait3A = arith.constant 0 : i32
      %dma_wait3A_17 = tpu.memref_slice %arg5[%arg0, %mul3A_12, %dma_wait3A] : memref<2x10240x128xf32, #tpu.memory_space<hbm>> -> memref<1x640x128xf32, #tpu.memory_space<hbm>>
      %dma_wait3A_18 = tpu.memref_squeeze %dma_wait3A_17 : memref<1x640x128xf32, #tpu.memory_space<hbm>> -> memref<640x128xf32, #tpu.memory_space<hbm>>
      %dma_wait3A_19 = arith.constant 0 : i32
      %dma_wait3A_20 = tpu.memref_slice %arg9[%mul3A_10, %dma_wait3A_19] : memref<10240x128xf32, #tpu.memory_space<vmem_shared>> -> memref<640x128xf32, #tpu.memory_space<vmem_shared>>
      tpu.wait_dma2 semaphore(%run_scoped3A : memref<!tpu.dma_semaphore, #tpu.memory_space<semaphore_mem>>) src(%dma_wait3A_20 : memref<640x128xf32, #tpu.memory_space<vmem_shared>>) dst(%dma_wait3A_18 : memref<640x128xf32, #tpu.memory_space<hbm>>)
      tpu.yield
    }) : () -> ()
    return
  }
}

#map = affine_map<(d0, d1) -> (0)>
#map1 = affine_map<(d0, d1) -> (0, 0)>
#map2 = affine_map<(d0, d1) -> (0, 0, 0)>
module attributes {stable_mosaic.version = 14 : i64} {
  func.func @_sc_prop(%arg0: i32, %arg1: i32, %arg2: memref<640000xi32, #tpu.memory_space<hbm>>, %arg3: memref<10000x128xf32, #tpu.memory_space<hbm>>, %arg4: memref<640x128xf32, #tpu.memory_space<hbm>>, %arg5: memref<2x10240x128xf32, #tpu.memory_space<hbm>>, %arg6: memref<80xi32, #tpu.memory_space<vmem>>, %arg7: memref<80xi32, #tpu.memory_space<vmem>>, %arg8: memref<80x128xf32, #tpu.memory_space<vmem>>, %arg9: memref<10240x128xf32, #tpu.memory_space<vmem_shared>>, %arg10: memref<!tpu.dma_semaphore, #tpu.memory_space<semaphore_mem>>) attributes {dimension_semantics = [#tpu.dimension_semantics<core_parallel>, #tpu.dimension_semantics<subcore_parallel>], iteration_bounds = array<i64: 2, 16>, scalar_prefetch = 0 : i64, scratch_operands = 5 : i64, tpu.core_type = #tpu.core_type<sc_vector_subcore>, window_params = [{transform_indices = #map}, {transform_indices = #map1}, {transform_indices = #map1}, {transform_indices = #map2}]} {
    %mul3A = arith.constant 16 : i32
    %mul3A_0 = arith.muli %arg0, %mul3A : i32
    %add3A = arith.addi %mul3A_0, %arg1 : i32
    %mul3A_1 = arith.constant 640 : i32
    %mul3A_2 = arith.muli %arg1, %mul3A_1 : i32
    "tpu.region"() ({
      %run_scoped3A = tpu.sem_alloc : memref<!tpu.dma_semaphore, #tpu.memory_space<semaphore_mem>>
      %dma_start3A = arith.constant 0 : i32
      %dma_start3A_13 = tpu.memref_slice %arg9[%mul3A_2, %dma_start3A] : memref<10240x128xf32, #tpu.memory_space<vmem_shared>> -> memref<640x128xf32, #tpu.memory_space<vmem_shared>>
      tpu.enqueue_dma source(%arg4 : memref<640x128xf32, #tpu.memory_space<hbm>>) target(%dma_start3A_13 : memref<640x128xf32, #tpu.memory_space<vmem_shared>>) target_semaphore(%run_scoped3A : memref<!tpu.dma_semaphore, #tpu.memory_space<semaphore_mem>>)
      %dma_wait3A = arith.constant 0 : i32
      %dma_wait3A_14 = tpu.memref_slice %arg9[%mul3A_2, %dma_wait3A] : memref<10240x128xf32, #tpu.memory_space<vmem_shared>> -> memref<640x128xf32, #tpu.memory_space<vmem_shared>>
      tpu.wait_dma2 semaphore(%run_scoped3A : memref<!tpu.dma_semaphore, #tpu.memory_space<semaphore_mem>>) src(%arg4 : memref<640x128xf32, #tpu.memory_space<hbm>>) dst(%dma_wait3A_14 : memref<640x128xf32, #tpu.memory_space<vmem_shared>>)
      tpu.yield
    }) : () -> ()
    %barrier3A = arith.constant 0 : index
    tpu.barrier barrier_id(%barrier3A)
    %scan3A = arith.constant 0 : i32
    %scan3A_3 = arith.constant 0 : i32
    %scan3A_4 = arith.constant 125 : i32
    %scan3A_5 = arith.addi %scan3A_3, %scan3A_4 : i32
    %scan3A_6 = arith.constant 1 : i32
    scf.for %scan3A_13 = %scan3A_3 to %scan3A_5 step %scan3A_6  : i32 {
      %mul3A_14 = arith.constant 10000 : i32
      %mul3A_15 = arith.muli %add3A, %mul3A_14 : i32
      %mul3A_16 = arith.constant 80 : i32
      %mul3A_17 = arith.muli %scan3A_13, %mul3A_16 : i32
      %add3A_18 = arith.addi %mul3A_15, %mul3A_17 : i32
      "tpu.region"() ({
        %run_scoped3A = tpu.sem_alloc : memref<!tpu.dma_semaphore, #tpu.memory_space<semaphore_mem>>
        %dma_start3A_25 = tpu.memref_slice %arg2[%add3A_18] : memref<640000xi32, #tpu.memory_space<hbm>> -> memref<80xi32, #tpu.memory_space<hbm>>
        %dma_start3A_26 = tpu.memref_slice %arg2[%add3A_18] : memref<640000xi32, #tpu.memory_space<hbm>> -> memref<80xi32, #tpu.memory_space<hbm>>
        tpu.enqueue_dma source(%dma_start3A_26 : memref<80xi32, #tpu.memory_space<hbm>>) target(%arg6 : memref<80xi32, #tpu.memory_space<vmem>>) target_semaphore(%run_scoped3A : memref<!tpu.dma_semaphore, #tpu.memory_space<semaphore_mem>>)
        %dma_wait3A_27 = tpu.memref_slice %arg2[%add3A_18] : memref<640000xi32, #tpu.memory_space<hbm>> -> memref<80xi32, #tpu.memory_space<hbm>>
        %dma_wait3A_28 = tpu.memref_slice %arg2[%add3A_18] : memref<640000xi32, #tpu.memory_space<hbm>> -> memref<80xi32, #tpu.memory_space<hbm>>
        tpu.wait_dma2 semaphore(%run_scoped3A : memref<!tpu.dma_semaphore, #tpu.memory_space<semaphore_mem>>) src(%dma_wait3A_28 : memref<80xi32, #tpu.memory_space<hbm>>) dst(%arg6 : memref<80xi32, #tpu.memory_space<vmem>>)
        tpu.yield
      }) : () -> ()
      %add3A_19 = arith.constant 320000 : i32
      %add3A_20 = arith.addi %add3A_19, %add3A_18 : i32
      "tpu.region"() ({
        %run_scoped3A = tpu.sem_alloc : memref<!tpu.dma_semaphore, #tpu.memory_space<semaphore_mem>>
        %dma_start3A_25 = tpu.memref_slice %arg2[%add3A_20] : memref<640000xi32, #tpu.memory_space<hbm>> -> memref<80xi32, #tpu.memory_space<hbm>>
        %dma_start3A_26 = tpu.memref_slice %arg2[%add3A_20] : memref<640000xi32, #tpu.memory_space<hbm>> -> memref<80xi32, #tpu.memory_space<hbm>>
        tpu.enqueue_dma source(%dma_start3A_26 : memref<80xi32, #tpu.memory_space<hbm>>) target(%arg7 : memref<80xi32, #tpu.memory_space<vmem>>) target_semaphore(%run_scoped3A : memref<!tpu.dma_semaphore, #tpu.memory_space<semaphore_mem>>)
        %dma_wait3A_27 = tpu.memref_slice %arg2[%add3A_20] : memref<640000xi32, #tpu.memory_space<hbm>> -> memref<80xi32, #tpu.memory_space<hbm>>
        %dma_wait3A_28 = tpu.memref_slice %arg2[%add3A_20] : memref<640000xi32, #tpu.memory_space<hbm>> -> memref<80xi32, #tpu.memory_space<hbm>>
        tpu.wait_dma2 semaphore(%run_scoped3A : memref<!tpu.dma_semaphore, #tpu.memory_space<semaphore_mem>>) src(%dma_wait3A_28 : memref<80xi32, #tpu.memory_space<hbm>>) dst(%arg7 : memref<80xi32, #tpu.memory_space<vmem>>)
        tpu.yield
      }) : () -> ()
      %dma_start3A = arith.constant 0 : i32
      %dma_start3A_21 = arith.constant 0 : i32
      %dma_start3A_22 = tpu.memref_slice %arg3[%dma_start3A, %dma_start3A_21] : memref<10000x128xf32, #tpu.memory_space<hbm>> -> memref<10000x128xf32, #tpu.memory_space<hbm>>
      tpu.enqueue_indirect_dma source(%dma_start3A_22 : memref<10000x128xf32, #tpu.memory_space<hbm>>) target(%arg8 : memref<80x128xf32, #tpu.memory_space<vmem>>) offsets(%arg6 : memref<80xi32, #tpu.memory_space<vmem>>) semaphore(%arg10 : memref<!tpu.dma_semaphore, #tpu.memory_space<semaphore_mem>>)
      %dma_wait3A = arith.constant 0 : i32
      %dma_wait3A_23 = arith.constant 0 : i32
      %dma_wait3A_24 = tpu.memref_slice %arg3[%dma_wait3A, %dma_wait3A_23] : memref<10000x128xf32, #tpu.memory_space<hbm>> -> memref<10000x128xf32, #tpu.memory_space<hbm>>
      tpu.wait_indirect_dma semaphore(%arg10 : memref<!tpu.dma_semaphore, #tpu.memory_space<semaphore_mem>>) src(%dma_wait3A_24 : memref<10000x128xf32, #tpu.memory_space<hbm>>) dst(%arg8 : memref<80x128xf32, #tpu.memory_space<vmem>>)
      "tpu.region"() ({
        %run_scoped3A = tpu.sem_alloc : memref<!tpu.dma_semaphore, #tpu.memory_space<semaphore_mem>>
        %dma_start3A_25 = arith.constant 0 : i32
        %dma_start3A_26 = arith.constant 0 : i32
        %dma_start3A_27 = tpu.memref_slice %arg9[%dma_start3A_25, %dma_start3A_26] : memref<10240x128xf32, #tpu.memory_space<vmem_shared>> -> memref<10240x128xf32, #tpu.memory_space<vmem_shared>>
        tpu.enqueue_indirect_dma source(%arg8 : memref<80x128xf32, #tpu.memory_space<vmem>>) target(%dma_start3A_27 : memref<10240x128xf32, #tpu.memory_space<vmem_shared>>) offsets(%arg7 : memref<80xi32, #tpu.memory_space<vmem>>) semaphore(%run_scoped3A : memref<!tpu.dma_semaphore, #tpu.memory_space<semaphore_mem>>) {add = true}
        %dma_wait3A_28 = arith.constant 0 : i32
        %dma_wait3A_29 = arith.constant 0 : i32
        %dma_wait3A_30 = tpu.memref_slice %arg9[%dma_wait3A_28, %dma_wait3A_29] : memref<10240x128xf32, #tpu.memory_space<vmem_shared>> -> memref<10240x128xf32, #tpu.memory_space<vmem_shared>>
        tpu.wait_indirect_dma semaphore(%run_scoped3A : memref<!tpu.dma_semaphore, #tpu.memory_space<semaphore_mem>>) src(%arg8 : memref<80x128xf32, #tpu.memory_space<vmem>>) dst(%dma_wait3A_30 : memref<10240x128xf32, #tpu.memory_space<vmem_shared>>)
        tpu.yield
      }) : () -> ()
    }
    %scan3A_7 = arith.constant 125 : i32
    %barrier3A_8 = arith.constant 0 : index
    tpu.barrier barrier_id(%barrier3A_8)
    %mul3A_9 = arith.constant 640 : i32
    %mul3A_10 = arith.muli %arg1, %mul3A_9 : i32
    %mul3A_11 = arith.constant 640 : i32
    %mul3A_12 = arith.muli %arg1, %mul3A_11 : i32
    "tpu.region"() ({
      %run_scoped3A = tpu.sem_alloc : memref<!tpu.dma_semaphore, #tpu.memory_space<semaphore_mem>>
      %dma_start3A = arith.constant 0 : i32
      %dma_start3A_13 = tpu.memref_slice %arg5[%arg0, %mul3A_12, %dma_start3A] : memref<2x10240x128xf32, #tpu.memory_space<hbm>> -> memref<1x640x128xf32, #tpu.memory_space<hbm>>
      %dma_start3A_14 = tpu.memref_squeeze %dma_start3A_13 : memref<1x640x128xf32, #tpu.memory_space<hbm>> -> memref<640x128xf32, #tpu.memory_space<hbm>>
      %dma_start3A_15 = arith.constant 0 : i32
      %dma_start3A_16 = tpu.memref_slice %arg9[%mul3A_10, %dma_start3A_15] : memref<10240x128xf32, #tpu.memory_space<vmem_shared>> -> memref<640x128xf32, #tpu.memory_space<vmem_shared>>
      tpu.enqueue_dma source(%dma_start3A_16 : memref<640x128xf32, #tpu.memory_space<vmem_shared>>) target(%dma_start3A_14 : memref<640x128xf32, #tpu.memory_space<hbm>>) target_semaphore(%run_scoped3A : memref<!tpu.dma_semaphore, #tpu.memory_space<semaphore_mem>>)
      %dma_wait3A = arith.constant 0 : i32
      %dma_wait3A_17 = tpu.memref_slice %arg5[%arg0, %mul3A_12, %dma_wait3A] : memref<2x10240x128xf32, #tpu.memory_space<hbm>> -> memref<1x640x128xf32, #tpu.memory_space<hbm>>
      %dma_wait3A_18 = tpu.memref_squeeze %dma_wait3A_17 : memref<1x640x128xf32, #tpu.memory_space<hbm>> -> memref<640x128xf32, #tpu.memory_space<hbm>>
      %dma_wait3A_19 = arith.constant 0 : i32
      %dma_wait3A_20 = tpu.memref_slice %arg9[%mul3A_10, %dma_wait3A_19] : memref<10240x128xf32, #tpu.memory_space<vmem_shared>> -> memref<640x128xf32, #tpu.memory_space<vmem_shared>>
      tpu.wait_dma2 semaphore(%run_scoped3A : memref<!tpu.dma_semaphore, #tpu.memory_space<semaphore_mem>>) src(%dma_wait3A_20 : memref<640x128xf32, #tpu.memory_space<vmem_shared>>) dst(%dma_wait3A_18 : memref<640x128xf32, #tpu.memory_space<hbm>>)
      tpu.yield
    }) : () -> ()
    return
  }
}

#map = affine_map<(d0, d1) -> (0)>
#map1 = affine_map<(d0, d1) -> (0, 0)>
module attributes {stable_mosaic.version = 14 : i64} {
  func.func @_sc_degree(%arg0: i32, %arg1: i32, %arg2: memref<640000xi32, #tpu.memory_space<hbm>>, %arg3: memref<2x10240xf32, #tpu.memory_space<hbm>>, %arg4: memref<80xi32, #tpu.memory_space<vmem>>, %arg5: memref<80xf32, #tpu.memory_space<vmem>>, %arg6: memref<640xf32, #tpu.memory_space<vmem>>, %arg7: memref<10240xf32, #tpu.memory_space<vmem_shared>>) attributes {dimension_semantics = [#tpu.dimension_semantics<core_parallel>, #tpu.dimension_semantics<subcore_parallel>], iteration_bounds = array<i64: 2, 16>, scalar_prefetch = 0 : i64, scratch_operands = 4 : i64, tpu.core_type = #tpu.core_type<sc_vector_subcore>, window_params = [{transform_indices = #map}, {transform_indices = #map1}]} {
    %mul3A = arith.constant 16 : i32
    %mul3A_0 = arith.muli %arg0, %mul3A : i32
    %add3A = arith.addi %mul3A_0, %arg1 : i32
    %broadcast_in_dim3A = arith.constant 1.000000e+00 : f32
    %broadcast_in_dim3A_1 = vector.broadcast %broadcast_in_dim3A : f32 to vector<16xf32>
    %swap3A = arith.constant 0 : index
    %swap3A_2 = tpu.vector_load %arg5[%swap3A] {strides = array<i32>} : memref<80xf32, #tpu.memory_space<vmem>>, vector<16xf32>,
    %swap3A_3 = vector.shape_cast %swap3A_2 : vector<16xf32> to vector<16xf32>
    %swap3A_4 = vector.shape_cast %broadcast_in_dim3A_1 : vector<16xf32> to vector<16xf32>
    tpu.vector_store %arg5[%swap3A], %swap3A_4 {strides = array<i32>} : memref<80xf32, #tpu.memory_space<vmem>>, vector<16xf32>,
    %broadcast_in_dim3A_5 = arith.constant 1.000000e+00 : f32
    %broadcast_in_dim3A_6 = vector.broadcast %broadcast_in_dim3A_5 : f32 to vector<16xf32>
    %swap3A_7 = arith.constant 16 : index
    %swap3A_8 = tpu.vector_load %arg5[%swap3A_7] {strides = array<i32>} : memref<80xf32, #tpu.memory_space<vmem>>, vector<16xf32>,
    %swap3A_9 = vector.shape_cast %swap3A_8 : vector<16xf32> to vector<16xf32>
    %swap3A_10 = vector.shape_cast %broadcast_in_dim3A_6 : vector<16xf32> to vector<16xf32>
    tpu.vector_store %arg5[%swap3A_7], %swap3A_10 {strides = array<i32>} : memref<80xf32, #tpu.memory_space<vmem>>, vector<16xf32>,
    %broadcast_in_dim3A_11 = arith.constant 1.000000e+00 : f32
    %broadcast_in_dim3A_12 = vector.broadcast %broadcast_in_dim3A_11 : f32 to vector<16xf32>
    %swap3A_13 = arith.constant 32 : index
    %swap3A_14 = tpu.vector_load %arg5[%swap3A_13] {strides = array<i32>} : memref<80xf32, #tpu.memory_space<vmem>>, vector<16xf32>,
    %swap3A_15 = vector.shape_cast %swap3A_14 : vector<16xf32> to vector<16xf32>
    %swap3A_16 = vector.shape_cast %broadcast_in_dim3A_12 : vector<16xf32> to vector<16xf32>
    tpu.vector_store %arg5[%swap3A_13], %swap3A_16 {strides = array<i32>} : memref<80xf32, #tpu.memory_space<vmem>>, vector<16xf32>,
    %broadcast_in_dim3A_17 = arith.constant 1.000000e+00 : f32
    %broadcast_in_dim3A_18 = vector.broadcast %broadcast_in_dim3A_17 : f32 to vector<16xf32>
    %swap3A_19 = arith.constant 48 : index
    %swap3A_20 = tpu.vector_load %arg5[%swap3A_19] {strides = array<i32>} : memref<80xf32, #tpu.memory_space<vmem>>, vector<16xf32>,
    %swap3A_21 = vector.shape_cast %swap3A_20 : vector<16xf32> to vector<16xf32>
    %swap3A_22 = vector.shape_cast %broadcast_in_dim3A_18 : vector<16xf32> to vector<16xf32>
    tpu.vector_store %arg5[%swap3A_19], %swap3A_22 {strides = array<i32>} : memref<80xf32, #tpu.memory_space<vmem>>, vector<16xf32>,
    %broadcast_in_dim3A_23 = arith.constant 1.000000e+00 : f32
    %broadcast_in_dim3A_24 = vector.broadcast %broadcast_in_dim3A_23 : f32 to vector<16xf32>
    %swap3A_25 = arith.constant 64 : index
    %swap3A_26 = tpu.vector_load %arg5[%swap3A_25] {strides = array<i32>} : memref<80xf32, #tpu.memory_space<vmem>>, vector<16xf32>,
    %swap3A_27 = vector.shape_cast %swap3A_26 : vector<16xf32> to vector<16xf32>
    %swap3A_28 = vector.shape_cast %broadcast_in_dim3A_24 : vector<16xf32> to vector<16xf32>
    tpu.vector_store %arg5[%swap3A_25], %swap3A_28 {strides = array<i32>} : memref<80xf32, #tpu.memory_space<vmem>>, vector<16xf32>,
    %broadcast_in_dim3A_29 = arith.constant 0.000000e+00 : f32
    %broadcast_in_dim3A_30 = vector.broadcast %broadcast_in_dim3A_29 : f32 to vector<16xf32>
    %swap3A_31 = arith.constant 0 : index
    %swap3A_32 = tpu.vector_load %arg6[%swap3A_31] {strides = array<i32>} : memref<640xf32, #tpu.memory_space<vmem>>, vector<16xf32>,
    %swap3A_33 = vector.shape_cast %swap3A_32 : vector<16xf32> to vector<16xf32>
    %swap3A_34 = vector.shape_cast %broadcast_in_dim3A_30 : vector<16xf32> to vector<16xf32>
    tpu.vector_store %arg6[%swap3A_31], %swap3A_34 {strides = array<i32>} : memref<640xf32, #tpu.memory_space<vmem>>, vector<16xf32>,
    %broadcast_in_dim3A_35 = arith.constant 0.000000e+00 : f32
    %broadcast_in_dim3A_36 = vector.broadcast %broadcast_in_dim3A_35 : f32 to vector<16xf32>
    %swap3A_37 = arith.constant 16 : index
    %swap3A_38 = tpu.vector_load %arg6[%swap3A_37] {strides = array<i32>} : memref<640xf32, #tpu.memory_space<vmem>>, vector<16xf32>,
    %swap3A_39 = vector.shape_cast %swap3A_38 : vector<16xf32> to vector<16xf32>
    %swap3A_40 = vector.shape_cast %broadcast_in_dim3A_36 : vector<16xf32> to vector<16xf32>
    tpu.vector_store %arg6[%swap3A_37], %swap3A_40 {strides = array<i32>} : memref<640xf32, #tpu.memory_space<vmem>>, vector<16xf32>,
    %broadcast_in_dim3A_41 = arith.constant 0.000000e+00 : f32
    %broadcast_in_dim3A_42 = vector.broadcast %broadcast_in_dim3A_41 : f32 to vector<16xf32>
    %swap3A_43 = arith.constant 32 : index
    %swap3A_44 = tpu.vector_load %arg6[%swap3A_43] {strides = array<i32>} : memref<640xf32, #tpu.memory_space<vmem>>, vector<16xf32>,
    %swap3A_45 = vector.shape_cast %swap3A_44 : vector<16xf32> to vector<16xf32>
    %swap3A_46 = vector.shape_cast %broadcast_in_dim3A_42 : vector<16xf32> to vector<16xf32>
    tpu.vector_store %arg6[%swap3A_43], %swap3A_46 {strides = array<i32>} : memref<640xf32, #tpu.memory_space<vmem>>, vector<16xf32>,
    %broadcast_in_dim3A_47 = arith.constant 0.000000e+00 : f32
    %broadcast_in_dim3A_48 = vector.broadcast %broadcast_in_dim3A_47 : f32 to vector<16xf32>
    %swap3A_49 = arith.constant 48 : index
    %swap3A_50 = tpu.vector_load %arg6[%swap3A_49] {strides = array<i32>} : memref<640xf32, #tpu.memory_space<vmem>>, vector<16xf32>,
    %swap3A_51 = vector.shape_cast %swap3A_50 : vector<16xf32> to vector<16xf32>
    %swap3A_52 = vector.shape_cast %broadcast_in_dim3A_48 : vector<16xf32> to vector<16xf32>
    tpu.vector_store %arg6[%swap3A_49], %swap3A_52 {strides = array<i32>} : memref<640xf32, #tpu.memory_space<vmem>>, vector<16xf32>,
    %broadcast_in_dim3A_53 = arith.constant 0.000000e+00 : f32
    %broadcast_in_dim3A_54 = vector.broadcast %broadcast_in_dim3A_53 : f32 to vector<16xf32>
    %swap3A_55 = arith.constant 64 : index
    %swap3A_56 = tpu.vector_load %arg6[%swap3A_55] {strides = array<i32>} : memref<640xf32, #tpu.memory_space<vmem>>, vector<16xf32>,
    %swap3A_57 = vector.shape_cast %swap3A_56 : vector<16xf32> to vector<16xf32>
    %swap3A_58 = vector.shape_cast %broadcast_in_dim3A_54 : vector<16xf32> to vector<16xf32>
    tpu.vector_store %arg6[%swap3A_55], %swap3A_58 {strides = array<i32>} : memref<640xf32, #tpu.memory_space<vmem>>, vector<16xf32>,
    %broadcast_in_dim3A_59 = arith.constant 0.000000e+00 : f32
    %broadcast_in_dim3A_60 = vector.broadcast %broadcast_in_dim3A_59 : f32 to vector<16xf32>
    %swap3A_61 = arith.constant 80 : index
    %swap3A_62 = tpu.vector_load %arg6[%swap3A_61] {strides = array<i32>} : memref<640xf32, #tpu.memory_space<vmem>>, vector<16xf32>,
    %swap3A_63 = vector.shape_cast %swap3A_62 : vector<16xf32> to vector<16xf32>
    %swap3A_64 = vector.shape_cast %broadcast_in_dim3A_60 : vector<16xf32> to vector<16xf32>
    tpu.vector_store %arg6[%swap3A_61], %swap3A_64 {strides = array<i32>} : memref<640xf32, #tpu.memory_space<vmem>>, vector<16xf32>,
    %broadcast_in_dim3A_65 = arith.constant 0.000000e+00 : f32
    %broadcast_in_dim3A_66 = vector.broadcast %broadcast_in_dim3A_65 : f32 to vector<16xf32>
    %swap3A_67 = arith.constant 96 : index
    %swap3A_68 = tpu.vector_load %arg6[%swap3A_67] {strides = array<i32>} : memref<640xf32, #tpu.memory_space<vmem>>, vector<16xf32>,
    %swap3A_69 = vector.shape_cast %swap3A_68 : vector<16xf32> to vector<16xf32>
    %swap3A_70 = vector.shape_cast %broadcast_in_dim3A_66 : vector<16xf32> to vector<16xf32>
    tpu.vector_store %arg6[%swap3A_67], %swap3A_70 {strides = array<i32>} : memref<640xf32, #tpu.memory_space<vmem>>, vector<16xf32>,
    %broadcast_in_dim3A_71 = arith.constant 0.000000e+00 : f32
    %broadcast_in_dim3A_72 = vector.broadcast %broadcast_in_dim3A_71 : f32 to vector<16xf32>
    %swap3A_73 = arith.constant 112 : index
    %swap3A_74 = tpu.vector_load %arg6[%swap3A_73] {strides = array<i32>} : memref<640xf32, #tpu.memory_space<vmem>>, vector<16xf32>,
    %swap3A_75 = vector.shape_cast %swap3A_74 : vector<16xf32> to vector<16xf32>
    %swap3A_76 = vector.shape_cast %broadcast_in_dim3A_72 : vector<16xf32> to vector<16xf32>
    tpu.vector_store %arg6[%swap3A_73], %swap3A_76 {strides = array<i32>} : memref<640xf32, #tpu.memory_space<vmem>>, vector<16xf32>,
    %broadcast_in_dim3A_77 = arith.constant 0.000000e+00 : f32
    %broadcast_in_dim3A_78 = vector.broadcast %broadcast_in_dim3A_77 : f32 to vector<16xf32>
    %swap3A_79 = arith.constant 128 : index
    %swap3A_80 = tpu.vector_load %arg6[%swap3A_79] {strides = array<i32>} : memref<640xf32, #tpu.memory_space<vmem>>, vector<16xf32>,
    %swap3A_81 = vector.shape_cast %swap3A_80 : vector<16xf32> to vector<16xf32>
    %swap3A_82 = vector.shape_cast %broadcast_in_dim3A_78 : vector<16xf32> to vector<16xf32>
    tpu.vector_store %arg6[%swap3A_79], %swap3A_82 {strides = array<i32>} : memref<640xf32, #tpu.memory_space<vmem>>, vector<16xf32>,
    %broadcast_in_dim3A_83 = arith.constant 0.000000e+00 : f32
    %broadcast_in_dim3A_84 = vector.broadcast %broadcast_in_dim3A_83 : f32 to vector<16xf32>
    %swap3A_85 = arith.constant 144 : index
    %swap3A_86 = tpu.vector_load %arg6[%swap3A_85] {strides = array<i32>} : memref<640xf32, #tpu.memory_space<vmem>>, vector<16xf32>,
    %swap3A_87 = vector.shape_cast %swap3A_86 : vector<16xf32> to vector<16xf32>
    %swap3A_88 = vector.shape_cast %broadcast_in_dim3A_84 : vector<16xf32> to vector<16xf32>
    tpu.vector_store %arg6[%swap3A_85], %swap3A_88 {strides = array<i32>} : memref<640xf32, #tpu.memory_space<vmem>>, vector<16xf32>,
    %broadcast_in_dim3A_89 = arith.constant 0.000000e+00 : f32
    %broadcast_in_dim3A_90 = vector.broadcast %broadcast_in_dim3A_89 : f32 to vector<16xf32>
    %swap3A_91 = arith.constant 160 : index
    %swap3A_92 = tpu.vector_load %arg6[%swap3A_91] {strides = array<i32>} : memref<640xf32, #tpu.memory_space<vmem>>, vector<16xf32>,
    %swap3A_93 = vector.shape_cast %swap3A_92 : vector<16xf32> to vector<16xf32>
    %swap3A_94 = vector.shape_cast %broadcast_in_dim3A_90 : vector<16xf32> to vector<16xf32>
    tpu.vector_store %arg6[%swap3A_91], %swap3A_94 {strides = array<i32>} : memref<640xf32, #tpu.memory_space<vmem>>, vector<16xf32>,
    %broadcast_in_dim3A_95 = arith.constant 0.000000e+00 : f32
    %broadcast_in_dim3A_96 = vector.broadcast %broadcast_in_dim3A_95 : f32 to vector<16xf32>
    %swap3A_97 = arith.constant 176 : index
    %swap3A_98 = tpu.vector_load %arg6[%swap3A_97] {strides = array<i32>} : memref<640xf32, #tpu.memory_space<vmem>>, vector<16xf32>,
    %swap3A_99 = vector.shape_cast %swap3A_98 : vector<16xf32> to vector<16xf32>
    %swap3A_100 = vector.shape_cast %broadcast_in_dim3A_96 : vector<16xf32> to vector<16xf32>
    tpu.vector_store %arg6[%swap3A_97], %swap3A_100 {strides = array<i32>} : memref<640xf32, #tpu.memory_space<vmem>>, vector<16xf32>,
    %broadcast_in_dim3A_101 = arith.constant 0.000000e+00 : f32
    %broadcast_in_dim3A_102 = vector.broadcast %broadcast_in_dim3A_101 : f32 to vector<16xf32>
    %swap3A_103 = arith.constant 192 : index
    %swap3A_104 = tpu.vector_load %arg6[%swap3A_103] {strides = array<i32>} : memref<640xf32, #tpu.memory_space<vmem>>, vector<16xf32>,
    %swap3A_105 = vector.shape_cast %swap3A_104 : vector<16xf32> to vector<16xf32>
    %swap3A_106 = vector.shape_cast %broadcast_in_dim3A_102 : vector<16xf32> to vector<16xf32>
    tpu.vector_store %arg6[%swap3A_103], %swap3A_106 {strides = array<i32>} : memref<640xf32, #tpu.memory_space<vmem>>, vector<16xf32>,
    %broadcast_in_dim3A_107 = arith.constant 0.000000e+00 : f32
    %broadcast_in_dim3A_108 = vector.broadcast %broadcast_in_dim3A_107 : f32 to vector<16xf32>
    %swap3A_109 = arith.constant 208 : index
    %swap3A_110 = tpu.vector_load %arg6[%swap3A_109] {strides = array<i32>} : memref<640xf32, #tpu.memory_space<vmem>>, vector<16xf32>,
    %swap3A_111 = vector.shape_cast %swap3A_110 : vector<16xf32> to vector<16xf32>
    %swap3A_112 = vector.shape_cast %broadcast_in_dim3A_108 : vector<16xf32> to vector<16xf32>
    tpu.vector_store %arg6[%swap3A_109], %swap3A_112 {strides = array<i32>} : memref<640xf32, #tpu.memory_space<vmem>>, vector<16xf32>,
    %broadcast_in_dim3A_113 = arith.constant 0.000000e+00 : f32
    %broadcast_in_dim3A_114 = vector.broadcast %broadcast_in_dim3A_113 : f32 to vector<16xf32>
    %swap3A_115 = arith.constant 224 : index
    %swap3A_116 = tpu.vector_load %arg6[%swap3A_115] {strides = array<i32>} : memref<640xf32, #tpu.memory_space<vmem>>, vector<16xf32>,
    %swap3A_117 = vector.shape_cast %swap3A_116 : vector<16xf32> to vector<16xf32>
    %swap3A_118 = vector.shape_cast %broadcast_in_dim3A_114 : vector<16xf32> to vector<16xf32>
    tpu.vector_store %arg6[%swap3A_115], %swap3A_118 {strides = array<i32>} : memref<640xf32, #tpu.memory_space<vmem>>, vector<16xf32>,
    %broadcast_in_dim3A_119 = arith.constant 0.000000e+00 : f32
    %broadcast_in_dim3A_120 = vector.broadcast %broadcast_in_dim3A_119 : f32 to vector<16xf32>
    %swap3A_121 = arith.constant 240 : index
    %swap3A_122 = tpu.vector_load %arg6[%swap3A_121] {strides = array<i32>} : memref<640xf32, #tpu.memory_space<vmem>>, vector<16xf32>,
    %swap3A_123 = vector.shape_cast %swap3A_122 : vector<16xf32> to vector<16xf32>
    %swap3A_124 = vector.shape_cast %broadcast_in_dim3A_120 : vector<16xf32> to vector<16xf32>
    tpu.vector_store %arg6[%swap3A_121], %swap3A_124 {strides = array<i32>} : memref<640xf32, #tpu.memory_space<vmem>>, vector<16xf32>,
    %broadcast_in_dim3A_125 = arith.constant 0.000000e+00 : f32
    %broadcast_in_dim3A_126 = vector.broadcast %broadcast_in_dim3A_125 : f32 to vector<16xf32>
    %swap3A_127 = arith.constant 256 : index
    %swap3A_128 = tpu.vector_load %arg6[%swap3A_127] {strides = array<i32>} : memref<640xf32, #tpu.memory_space<vmem>>, vector<16xf32>,
    %swap3A_129 = vector.shape_cast %swap3A_128 : vector<16xf32> to vector<16xf32>
    %swap3A_130 = vector.shape_cast %broadcast_in_dim3A_126 : vector<16xf32> to vector<16xf32>
    tpu.vector_store %arg6[%swap3A_127], %swap3A_130 {strides = array<i32>} : memref<640xf32, #tpu.memory_space<vmem>>, vector<16xf32>,
    %broadcast_in_dim3A_131 = arith.constant 0.000000e+00 : f32
    %broadcast_in_dim3A_132 = vector.broadcast %broadcast_in_dim3A_131 : f32 to vector<16xf32>
    %swap3A_133 = arith.constant 272 : index
    %swap3A_134 = tpu.vector_load %arg6[%swap3A_133] {strides = array<i32>} : memref<640xf32, #tpu.memory_space<vmem>>, vector<16xf32>,
    %swap3A_135 = vector.shape_cast %swap3A_134 : vector<16xf32> to vector<16xf32>
    %swap3A_136 = vector.shape_cast %broadcast_in_dim3A_132 : vector<16xf32> to vector<16xf32>
    tpu.vector_store %arg6[%swap3A_133], %swap3A_136 {strides = array<i32>} : memref<640xf32, #tpu.memory_space<vmem>>, vector<16xf32>,
    %broadcast_in_dim3A_137 = arith.constant 0.000000e+00 : f32
    %broadcast_in_dim3A_138 = vector.broadcast %broadcast_in_dim3A_137 : f32 to vector<16xf32>
    %swap3A_139 = arith.constant 288 : index
    %swap3A_140 = tpu.vector_load %arg6[%swap3A_139] {strides = array<i32>} : memref<640xf32, #tpu.memory_space<vmem>>, vector<16xf32>,
    %swap3A_141 = vector.shape_cast %swap3A_140 : vector<16xf32> to vector<16xf32>
    %swap3A_142 = vector.shape_cast %broadcast_in_dim3A_138 : vector<16xf32> to vector<16xf32>
    tpu.vector_store %arg6[%swap3A_139], %swap3A_142 {strides = array<i32>} : memref<640xf32, #tpu.memory_space<vmem>>, vector<16xf32>,
    %broadcast_in_dim3A_143 = arith.constant 0.000000e+00 : f32
    %broadcast_in_dim3A_144 = vector.broadcast %broadcast_in_dim3A_143 : f32 to vector<16xf32>
    %swap3A_145 = arith.constant 304 : index
    %swap3A_146 = tpu.vector_load %arg6[%swap3A_145] {strides = array<i32>} : memref<640xf32, #tpu.memory_space<vmem>>, vector<16xf32>,
    %swap3A_147 = vector.shape_cast %swap3A_146 : vector<16xf32> to vector<16xf32>
    %swap3A_148 = vector.shape_cast %broadcast_in_dim3A_144 : vector<16xf32> to vector<16xf32>
    tpu.vector_store %arg6[%swap3A_145], %swap3A_148 {strides = array<i32>} : memref<640xf32, #tpu.memory_space<vmem>>, vector<16xf32>,
    %broadcast_in_dim3A_149 = arith.constant 0.000000e+00 : f32
    %broadcast_in_dim3A_150 = vector.broadcast %broadcast_in_dim3A_149 : f32 to vector<16xf32>
    %swap3A_151 = arith.constant 320 : index
    %swap3A_152 = tpu.vector_load %arg6[%swap3A_151] {strides = array<i32>} : memref<640xf32, #tpu.memory_space<vmem>>, vector<16xf32>,
    %swap3A_153 = vector.shape_cast %swap3A_152 : vector<16xf32> to vector<16xf32>
    %swap3A_154 = vector.shape_cast %broadcast_in_dim3A_150 : vector<16xf32> to vector<16xf32>
    tpu.vector_store %arg6[%swap3A_151], %swap3A_154 {strides = array<i32>} : memref<640xf32, #tpu.memory_space<vmem>>, vector<16xf32>,
    %broadcast_in_dim3A_155 = arith.constant 0.000000e+00 : f32
    %broadcast_in_dim3A_156 = vector.broadcast %broadcast_in_dim3A_155 : f32 to vector<16xf32>
    %swap3A_157 = arith.constant 336 : index
    %swap3A_158 = tpu.vector_load %arg6[%swap3A_157] {strides = array<i32>} : memref<640xf32, #tpu.memory_space<vmem>>, vector<16xf32>,
    %swap3A_159 = vector.shape_cast %swap3A_158 : vector<16xf32> to vector<16xf32>
    %swap3A_160 = vector.shape_cast %broadcast_in_dim3A_156 : vector<16xf32> to vector<16xf32>
    tpu.vector_store %arg6[%swap3A_157], %swap3A_160 {strides = array<i32>} : memref<640xf32, #tpu.memory_space<vmem>>, vector<16xf32>,
    %broadcast_in_dim3A_161 = arith.constant 0.000000e+00 : f32
    %broadcast_in_dim3A_162 = vector.broadcast %broadcast_in_dim3A_161 : f32 to vector<16xf32>
    %swap3A_163 = arith.constant 352 : index
    %swap3A_164 = tpu.vector_load %arg6[%swap3A_163] {strides = array<i32>} : memref<640xf32, #tpu.memory_space<vmem>>, vector<16xf32>,
    %swap3A_165 = vector.shape_cast %swap3A_164 : vector<16xf32> to vector<16xf32>
    %swap3A_166 = vector.shape_cast %broadcast_in_dim3A_162 : vector<16xf32> to vector<16xf32>
    tpu.vector_store %arg6[%swap3A_163], %swap3A_166 {strides = array<i32>} : memref<640xf32, #tpu.memory_space<vmem>>, vector<16xf32>,
    %broadcast_in_dim3A_167 = arith.constant 0.000000e+00 : f32
    %broadcast_in_dim3A_168 = vector.broadcast %broadcast_in_dim3A_167 : f32 to vector<16xf32>
    %swap3A_169 = arith.constant 368 : index
    %swap3A_170 = tpu.vector_load %arg6[%swap3A_169] {strides = array<i32>} : memref<640xf32, #tpu.memory_space<vmem>>, vector<16xf32>,
    %swap3A_171 = vector.shape_cast %swap3A_170 : vector<16xf32> to vector<16xf32>
    %swap3A_172 = vector.shape_cast %broadcast_in_dim3A_168 : vector<16xf32> to vector<16xf32>
    tpu.vector_store %arg6[%swap3A_169], %swap3A_172 {strides = array<i32>} : memref<640xf32, #tpu.memory_space<vmem>>, vector<16xf32>,
    %broadcast_in_dim3A_173 = arith.constant 0.000000e+00 : f32
    %broadcast_in_dim3A_174 = vector.broadcast %broadcast_in_dim3A_173 : f32 to vector<16xf32>
    %swap3A_175 = arith.constant 384 : index
    %swap3A_176 = tpu.vector_load %arg6[%swap3A_175] {strides = array<i32>} : memref<640xf32, #tpu.memory_space<vmem>>, vector<16xf32>,
    %swap3A_177 = vector.shape_cast %swap3A_176 : vector<16xf32> to vector<16xf32>
    %swap3A_178 = vector.shape_cast %broadcast_in_dim3A_174 : vector<16xf32> to vector<16xf32>
    tpu.vector_store %arg6[%swap3A_175], %swap3A_178 {strides = array<i32>} : memref<640xf32, #tpu.memory_space<vmem>>, vector<16xf32>,
    %broadcast_in_dim3A_179 = arith.constant 0.000000e+00 : f32
    %broadcast_in_dim3A_180 = vector.broadcast %broadcast_in_dim3A_179 : f32 to vector<16xf32>
    %swap3A_181 = arith.constant 400 : index
    %swap3A_182 = tpu.vector_load %arg6[%swap3A_181] {strides = array<i32>} : memref<640xf32, #tpu.memory_space<vmem>>, vector<16xf32>,
    %swap3A_183 = vector.shape_cast %swap3A_182 : vector<16xf32> to vector<16xf32>
    %swap3A_184 = vector.shape_cast %broadcast_in_dim3A_180 : vector<16xf32> to vector<16xf32>
    tpu.vector_store %arg6[%swap3A_181], %swap3A_184 {strides = array<i32>} : memref<640xf32, #tpu.memory_space<vmem>>, vector<16xf32>,
    %broadcast_in_dim3A_185 = arith.constant 0.000000e+00 : f32
    %broadcast_in_dim3A_186 = vector.broadcast %broadcast_in_dim3A_185 : f32 to vector<16xf32>
    %swap3A_187 = arith.constant 416 : index
    %swap3A_188 = tpu.vector_load %arg6[%swap3A_187] {strides = array<i32>} : memref<640xf32, #tpu.memory_space<vmem>>, vector<16xf32>,
    %swap3A_189 = vector.shape_cast %swap3A_188 : vector<16xf32> to vector<16xf32>
    %swap3A_190 = vector.shape_cast %broadcast_in_dim3A_186 : vector<16xf32> to vector<16xf32>
    tpu.vector_store %arg6[%swap3A_187], %swap3A_190 {strides = array<i32>} : memref<640xf32, #tpu.memory_space<vmem>>, vector<16xf32>,
    %broadcast_in_dim3A_191 = arith.constant 0.000000e+00 : f32
    %broadcast_in_dim3A_192 = vector.broadcast %broadcast_in_dim3A_191 : f32 to vector<16xf32>
    %swap3A_193 = arith.constant 432 : index
    %swap3A_194 = tpu.vector_load %arg6[%swap3A_193] {strides = array<i32>} : memref<640xf32, #tpu.memory_space<vmem>>, vector<16xf32>,
    %swap3A_195 = vector.shape_cast %swap3A_194 : vector<16xf32> to vector<16xf32>
    %swap3A_196 = vector.shape_cast %broadcast_in_dim3A_192 : vector<16xf32> to vector<16xf32>
    tpu.vector_store %arg6[%swap3A_193], %swap3A_196 {strides = array<i32>} : memref<640xf32, #tpu.memory_space<vmem>>, vector<16xf32>,
    %broadcast_in_dim3A_197 = arith.constant 0.000000e+00 : f32
    %broadcast_in_dim3A_198 = vector.broadcast %broadcast_in_dim3A_197 : f32 to vector<16xf32>
    %swap3A_199 = arith.constant 448 : index
    %swap3A_200 = tpu.vector_load %arg6[%swap3A_199] {strides = array<i32>} : memref<640xf32, #tpu.memory_space<vmem>>, vector<16xf32>,
    %swap3A_201 = vector.shape_cast %swap3A_200 : vector<16xf32> to vector<16xf32>
    %swap3A_202 = vector.shape_cast %broadcast_in_dim3A_198 : vector<16xf32> to vector<16xf32>
    tpu.vector_store %arg6[%swap3A_199], %swap3A_202 {strides = array<i32>} : memref<640xf32, #tpu.memory_space<vmem>>, vector<16xf32>,
    %broadcast_in_dim3A_203 = arith.constant 0.000000e+00 : f32
    %broadcast_in_dim3A_204 = vector.broadcast %broadcast_in_dim3A_203 : f32 to vector<16xf32>
    %swap3A_205 = arith.constant 464 : index
    %swap3A_206 = tpu.vector_load %arg6[%swap3A_205] {strides = array<i32>} : memref<640xf32, #tpu.memory_space<vmem>>, vector<16xf32>,
    %swap3A_207 = vector.shape_cast %swap3A_206 : vector<16xf32> to vector<16xf32>
    %swap3A_208 = vector.shape_cast %broadcast_in_dim3A_204 : vector<16xf32> to vector<16xf32>
    tpu.vector_store %arg6[%swap3A_205], %swap3A_208 {strides = array<i32>} : memref<640xf32, #tpu.memory_space<vmem>>, vector<16xf32>,
    %broadcast_in_dim3A_209 = arith.constant 0.000000e+00 : f32
    %broadcast_in_dim3A_210 = vector.broadcast %broadcast_in_dim3A_209 : f32 to vector<16xf32>
    %swap3A_211 = arith.constant 480 : index
    %swap3A_212 = tpu.vector_load %arg6[%swap3A_211] {strides = array<i32>} : memref<640xf32, #tpu.memory_space<vmem>>, vector<16xf32>,
    %swap3A_213 = vector.shape_cast %swap3A_212 : vector<16xf32> to vector<16xf32>
    %swap3A_214 = vector.shape_cast %broadcast_in_dim3A_210 : vector<16xf32> to vector<16xf32>
    tpu.vector_store %arg6[%swap3A_211], %swap3A_214 {strides = array<i32>} : memref<640xf32, #tpu.memory_space<vmem>>, vector<16xf32>,
    %broadcast_in_dim3A_215 = arith.constant 0.000000e+00 : f32
    %broadcast_in_dim3A_216 = vector.broadcast %broadcast_in_dim3A_215 : f32 to vector<16xf32>
    %swap3A_217 = arith.constant 496 : index
    %swap3A_218 = tpu.vector_load %arg6[%swap3A_217] {strides = array<i32>} : memref<640xf32, #tpu.memory_space<vmem>>, vector<16xf32>,
    %swap3A_219 = vector.shape_cast %swap3A_218 : vector<16xf32> to vector<16xf32>
    %swap3A_220 = vector.shape_cast %broadcast_in_dim3A_216 : vector<16xf32> to vector<16xf32>
    tpu.vector_store %arg6[%swap3A_217], %swap3A_220 {strides = array<i32>} : memref<640xf32, #tpu.memory_space<vmem>>, vector<16xf32>,
    %broadcast_in_dim3A_221 = arith.constant 0.000000e+00 : f32
    %broadcast_in_dim3A_222 = vector.broadcast %broadcast_in_dim3A_221 : f32 to vector<16xf32>
    %swap3A_223 = arith.constant 512 : index
    %swap3A_224 = tpu.vector_load %arg6[%swap3A_223] {strides = array<i32>} : memref<640xf32, #tpu.memory_space<vmem>>, vector<16xf32>,
    %swap3A_225 = vector.shape_cast %swap3A_224 : vector<16xf32> to vector<16xf32>
    %swap3A_226 = vector.shape_cast %broadcast_in_dim3A_222 : vector<16xf32> to vector<16xf32>
    tpu.vector_store %arg6[%swap3A_223], %swap3A_226 {strides = array<i32>} : memref<640xf32, #tpu.memory_space<vmem>>, vector<16xf32>,
    %broadcast_in_dim3A_227 = arith.constant 0.000000e+00 : f32
    %broadcast_in_dim3A_228 = vector.broadcast %broadcast_in_dim3A_227 : f32 to vector<16xf32>
    %swap3A_229 = arith.constant 528 : index
    %swap3A_230 = tpu.vector_load %arg6[%swap3A_229] {strides = array<i32>} : memref<640xf32, #tpu.memory_space<vmem>>, vector<16xf32>,
    %swap3A_231 = vector.shape_cast %swap3A_230 : vector<16xf32> to vector<16xf32>
    %swap3A_232 = vector.shape_cast %broadcast_in_dim3A_228 : vector<16xf32> to vector<16xf32>
    tpu.vector_store %arg6[%swap3A_229], %swap3A_232 {strides = array<i32>} : memref<640xf32, #tpu.memory_space<vmem>>, vector<16xf32>,
    %broadcast_in_dim3A_233 = arith.constant 0.000000e+00 : f32
    %broadcast_in_dim3A_234 = vector.broadcast %broadcast_in_dim3A_233 : f32 to vector<16xf32>
    %swap3A_235 = arith.constant 544 : index
    %swap3A_236 = tpu.vector_load %arg6[%swap3A_235] {strides = array<i32>} : memref<640xf32, #tpu.memory_space<vmem>>, vector<16xf32>,
    %swap3A_237 = vector.shape_cast %swap3A_236 : vector<16xf32> to vector<16xf32>
    %swap3A_238 = vector.shape_cast %broadcast_in_dim3A_234 : vector<16xf32> to vector<16xf32>
    tpu.vector_store %arg6[%swap3A_235], %swap3A_238 {strides = array<i32>} : memref<640xf32, #tpu.memory_space<vmem>>, vector<16xf32>,
    %broadcast_in_dim3A_239 = arith.constant 0.000000e+00 : f32
    %broadcast_in_dim3A_240 = vector.broadcast %broadcast_in_dim3A_239 : f32 to vector<16xf32>
    %swap3A_241 = arith.constant 560 : index
    %swap3A_242 = tpu.vector_load %arg6[%swap3A_241] {strides = array<i32>} : memref<640xf32, #tpu.memory_space<vmem>>, vector<16xf32>,
    %swap3A_243 = vector.shape_cast %swap3A_242 : vector<16xf32> to vector<16xf32>
    %swap3A_244 = vector.shape_cast %broadcast_in_dim3A_240 : vector<16xf32> to vector<16xf32>
    tpu.vector_store %arg6[%swap3A_241], %swap3A_244 {strides = array<i32>} : memref<640xf32, #tpu.memory_space<vmem>>, vector<16xf32>,
    %broadcast_in_dim3A_245 = arith.constant 0.000000e+00 : f32
    %broadcast_in_dim3A_246 = vector.broadcast %broadcast_in_dim3A_245 : f32 to vector<16xf32>
    %swap3A_247 = arith.constant 576 : index
    %swap3A_248 = tpu.vector_load %arg6[%swap3A_247] {strides = array<i32>} : memref<640xf32, #tpu.memory_space<vmem>>, vector<16xf32>,
    %swap3A_249 = vector.shape_cast %swap3A_248 : vector<16xf32> to vector<16xf32>
    %swap3A_250 = vector.shape_cast %broadcast_in_dim3A_246 : vector<16xf32> to vector<16xf32>
    tpu.vector_store %arg6[%swap3A_247], %swap3A_250 {strides = array<i32>} : memref<640xf32, #tpu.memory_space<vmem>>, vector<16xf32>,
    %broadcast_in_dim3A_251 = arith.constant 0.000000e+00 : f32
    %broadcast_in_dim3A_252 = vector.broadcast %broadcast_in_dim3A_251 : f32 to vector<16xf32>
    %swap3A_253 = arith.constant 592 : index
    %swap3A_254 = tpu.vector_load %arg6[%swap3A_253] {strides = array<i32>} : memref<640xf32, #tpu.memory_space<vmem>>, vector<16xf32>,
    %swap3A_255 = vector.shape_cast %swap3A_254 : vector<16xf32> to vector<16xf32>
    %swap3A_256 = vector.shape_cast %broadcast_in_dim3A_252 : vector<16xf32> to vector<16xf32>
    tpu.vector_store %arg6[%swap3A_253], %swap3A_256 {strides = array<i32>} : memref<640xf32, #tpu.memory_space<vmem>>, vector<16xf32>,
    %broadcast_in_dim3A_257 = arith.constant 0.000000e+00 : f32
    %broadcast_in_dim3A_258 = vector.broadcast %broadcast_in_dim3A_257 : f32 to vector<16xf32>
    %swap3A_259 = arith.constant 608 : index
    %swap3A_260 = tpu.vector_load %arg6[%swap3A_259] {strides = array<i32>} : memref<640xf32, #tpu.memory_space<vmem>>, vector<16xf32>,
    %swap3A_261 = vector.shape_cast %swap3A_260 : vector<16xf32> to vector<16xf32>
    %swap3A_262 = vector.shape_cast %broadcast_in_dim3A_258 : vector<16xf32> to vector<16xf32>
    tpu.vector_store %arg6[%swap3A_259], %swap3A_262 {strides = array<i32>} : memref<640xf32, #tpu.memory_space<vmem>>, vector<16xf32>,
    %broadcast_in_dim3A_263 = arith.constant 0.000000e+00 : f32
    %broadcast_in_dim3A_264 = vector.broadcast %broadcast_in_dim3A_263 : f32 to vector<16xf32>
    %swap3A_265 = arith.constant 624 : index
    %swap3A_266 = tpu.vector_load %arg6[%swap3A_265] {strides = array<i32>} : memref<640xf32, #tpu.memory_space<vmem>>, vector<16xf32>,
    %swap3A_267 = vector.shape_cast %swap3A_266 : vector<16xf32> to vector<16xf32>
    %swap3A_268 = vector.shape_cast %broadcast_in_dim3A_264 : vector<16xf32> to vector<16xf32>
    tpu.vector_store %arg6[%swap3A_265], %swap3A_268 {strides = array<i32>} : memref<640xf32, #tpu.memory_space<vmem>>, vector<16xf32>,
    %mul3A_269 = arith.constant 640 : i32
    %mul3A_270 = arith.muli %arg1, %mul3A_269 : i32
    "tpu.region"() ({
      %run_scoped3A = tpu.sem_alloc : memref<!tpu.dma_semaphore, #tpu.memory_space<semaphore_mem>>
      %dma_start3A = tpu.memref_slice %arg7[%mul3A_270] : memref<10240xf32, #tpu.memory_space<vmem_shared>> -> memref<640xf32, #tpu.memory_space<vmem_shared>>
      %dma_start3A_281 = tpu.memref_slice %arg7[%mul3A_270] : memref<10240xf32, #tpu.memory_space<vmem_shared>> -> memref<640xf32, #tpu.memory_space<vmem_shared>>
      tpu.enqueue_dma source(%arg6 : memref<640xf32, #tpu.memory_space<vmem>>) target(%dma_start3A_281 : memref<640xf32, #tpu.memory_space<vmem_shared>>) target_semaphore(%run_scoped3A : memref<!tpu.dma_semaphore, #tpu.memory_space<semaphore_mem>>)
      %dma_wait3A = tpu.memref_slice %arg7[%mul3A_270] : memref<10240xf32, #tpu.memory_space<vmem_shared>> -> memref<640xf32, #tpu.memory_space<vmem_shared>>
      %dma_wait3A_282 = tpu.memref_slice %arg7[%mul3A_270] : memref<10240xf32, #tpu.memory_space<vmem_shared>> -> memref<640xf32, #tpu.memory_space<vmem_shared>>
      tpu.wait_dma2 semaphore(%run_scoped3A : memref<!tpu.dma_semaphore, #tpu.memory_space<semaphore_mem>>) src(%arg6 : memref<640xf32, #tpu.memory_space<vmem>>) dst(%dma_wait3A_282 : memref<640xf32, #tpu.memory_space<vmem_shared>>)
      tpu.yield
    }) : () -> ()
    %barrier3A = arith.constant 0 : index
    tpu.barrier barrier_id(%barrier3A)
    %scan3A = arith.constant 0 : i32
    %scan3A_271 = arith.constant 0 : i32
    %scan3A_272 = arith.constant 125 : i32
    %scan3A_273 = arith.addi %scan3A_271, %scan3A_272 : i32
    %scan3A_274 = arith.constant 1 : i32
    scf.for %scan3A_281 = %scan3A_271 to %scan3A_273 step %scan3A_274  : i32 {
      %mul3A_282 = arith.constant 10000 : i32
      %mul3A_283 = arith.muli %add3A, %mul3A_282 : i32
      %mul3A_284 = arith.constant 80 : i32
      %mul3A_285 = arith.muli %scan3A_281, %mul3A_284 : i32
      %add3A_286 = arith.addi %mul3A_283, %mul3A_285 : i32
      %add3A_287 = arith.constant 320000 : i32
      %add3A_288 = arith.addi %add3A_287, %add3A_286 : i32
      "tpu.region"() ({
        %run_scoped3A = tpu.sem_alloc : memref<!tpu.dma_semaphore, #tpu.memory_space<semaphore_mem>>
        %dma_start3A = tpu.memref_slice %arg2[%add3A_288] : memref<640000xi32, #tpu.memory_space<hbm>> -> memref<80xi32, #tpu.memory_space<hbm>>
        %dma_start3A_289 = tpu.memref_slice %arg2[%add3A_288] : memref<640000xi32, #tpu.memory_space<hbm>> -> memref<80xi32, #tpu.memory_space<hbm>>
        tpu.enqueue_dma source(%dma_start3A_289 : memref<80xi32, #tpu.memory_space<hbm>>) target(%arg4 : memref<80xi32, #tpu.memory_space<vmem>>) target_semaphore(%run_scoped3A : memref<!tpu.dma_semaphore, #tpu.memory_space<semaphore_mem>>)
        %dma_wait3A = tpu.memref_slice %arg2[%add3A_288] : memref<640000xi32, #tpu.memory_space<hbm>> -> memref<80xi32, #tpu.memory_space<hbm>>
        %dma_wait3A_290 = tpu.memref_slice %arg2[%add3A_288] : memref<640000xi32, #tpu.memory_space<hbm>> -> memref<80xi32, #tpu.memory_space<hbm>>
        tpu.wait_dma2 semaphore(%run_scoped3A : memref<!tpu.dma_semaphore, #tpu.memory_space<semaphore_mem>>) src(%dma_wait3A_290 : memref<80xi32, #tpu.memory_space<hbm>>) dst(%arg4 : memref<80xi32, #tpu.memory_space<vmem>>)
        tpu.yield
      }) : () -> ()
      "tpu.region"() ({
        %run_scoped3A = tpu.sem_alloc : memref<!tpu.dma_semaphore, #tpu.memory_space<semaphore_mem>>
        %dma_start3A = arith.constant 0 : i32
        %dma_start3A_289 = tpu.memref_slice %arg7[%dma_start3A] : memref<10240xf32, #tpu.memory_space<vmem_shared>> -> memref<10240xf32, #tpu.memory_space<vmem_shared>>
        tpu.enqueue_indirect_dma source(%arg5 : memref<80xf32, #tpu.memory_space<vmem>>) target(%dma_start3A_289 : memref<10240xf32, #tpu.memory_space<vmem_shared>>) offsets(%arg4 : memref<80xi32, #tpu.memory_space<vmem>>) semaphore(%run_scoped3A : memref<!tpu.dma_semaphore, #tpu.memory_space<semaphore_mem>>) {add = true}
        %dma_wait3A = arith.constant 0 : i32
        %dma_wait3A_290 = tpu.memref_slice %arg7[%dma_wait3A] : memref<10240xf32, #tpu.memory_space<vmem_shared>> -> memref<10240xf32, #tpu.memory_space<vmem_shared>>
        tpu.wait_indirect_dma semaphore(%run_scoped3A : memref<!tpu.dma_semaphore, #tpu.memory_space<semaphore_mem>>) src(%arg5 : memref<80xf32, #tpu.memory_space<vmem>>) dst(%dma_wait3A_290 : memref<10240xf32, #tpu.memory_space<vmem_shared>>)
        tpu.yield
      }) : () -> ()
    }
    %scan3A_275 = arith.constant 125 : i32
    %barrier3A_276 = arith.constant 0 : index
    tpu.barrier barrier_id(%barrier3A_276)
    %mul3A_277 = arith.constant 640 : i32
    %mul3A_278 = arith.muli %arg1, %mul3A_277 : i32
    %mul3A_279 = arith.constant 640 : i32
    %mul3A_280 = arith.muli %arg1, %mul3A_279 : i32
    "tpu.region"() ({
      %run_scoped3A = tpu.sem_alloc : memref<!tpu.dma_semaphore, #tpu.memory_space<semaphore_mem>>
      %dma_start3A = tpu.memref_slice %arg3[%arg0, %mul3A_280] : memref<2x10240xf32, #tpu.memory_space<hbm>> -> memref<1x640xf32, #tpu.memory_space<hbm>>
      %dma_start3A_281 = tpu.memref_squeeze %dma_start3A : memref<1x640xf32, #tpu.memory_space<hbm>> -> memref<640xf32, #tpu.memory_space<hbm>>
      %dma_start3A_282 = tpu.memref_slice %arg7[%mul3A_278] : memref<10240xf32, #tpu.memory_space<vmem_shared>> -> memref<640xf32, #tpu.memory_space<vmem_shared>>
      tpu.enqueue_dma source(%dma_start3A_282 : memref<640xf32, #tpu.memory_space<vmem_shared>>) target(%dma_start3A_281 : memref<640xf32, #tpu.memory_space<hbm>>) target_semaphore(%run_scoped3A : memref<!tpu.dma_semaphore, #tpu.memory_space<semaphore_mem>>)
      %dma_wait3A = tpu.memref_slice %arg3[%arg0, %mul3A_280] : memref<2x10240xf32, #tpu.memory_space<hbm>> -> memref<1x640xf32, #tpu.memory_space<hbm>>
      %dma_wait3A_283 = tpu.memref_squeeze %dma_wait3A : memref<1x640xf32, #tpu.memory_space<hbm>> -> memref<640xf32, #tpu.memory_space<hbm>>
      %dma_wait3A_284 = tpu.memref_slice %arg7[%mul3A_278] : memref<10240xf32, #tpu.memory_space<vmem_shared>> -> memref<640xf32, #tpu.memory_space<vmem_shared>>
      tpu.wait_dma2 semaphore(%run_scoped3A : memref<!tpu.dma_semaphore, #tpu.memory_space<semaphore_mem>>) src(%dma_wait3A_284 : memref<640xf32, #tpu.memory_space<vmem_shared>>) dst(%dma_wait3A_283 : memref<640xf32, #tpu.memory_space<hbm>>)
      tpu.yield
    }) : () -> ()
    return
  }
}

module attributes {stable_mosaic.version = 14 : i64} {
  func.func @_tc_a_body(%arg0: memref<10000x128xf32, #tpu.memory_space<vmem>>, %arg1: memref<128x128xf32, #tpu.memory_space<vmem>>, %arg2: memref<2x10240x1xf32, #tpu.memory_space<vmem>>, %arg3: memref<10000x128xf32, #tpu.memory_space<vmem>>, %arg4: memref<10240x1xf32, #tpu.memory_space<vmem>>) attributes {dimension_semantics = [], scalar_prefetch = 0 : i64, scratch_operands = 0 : i64, tpu.core_type = #tpu.core_type<tc>} {
    %get3A = arith.constant 0 : index
    %get3A_0 = arith.constant 0 : index
    %get3A_1 = arith.constant 0 : index
    %get3A_2 = vector.load %arg2[%get3A, %get3A_0, %get3A_1] : memref<2x10240x1xf32, #tpu.memory_space<vmem>>, vector<1x10240x1xf32>
    %get3A_3 = vector.shape_cast %get3A_2 : vector<1x10240x1xf32> to vector<10240x1xf32>
    %get3A_4 = arith.constant 1 : index
    %get3A_5 = arith.constant 0 : index
    %get3A_6 = arith.constant 0 : index
    %get3A_7 = vector.load %arg2[%get3A_4, %get3A_5, %get3A_6] : memref<2x10240x1xf32, #tpu.memory_space<vmem>>, vector<1x10240x1xf32>
    %get3A_8 = vector.shape_cast %get3A_7 : vector<1x10240x1xf32> to vector<10240x1xf32>
    %add3A = arith.addf %get3A_3, %get3A_8 : vector<10240x1xf32>
    %add3A_9 = arith.constant 1.000000e+00 : f32
    %add3A_10 = vector.broadcast %add3A_9 : f32 to vector<10240x1xf32>
    %add3A_11 = arith.addf %add3A, %add3A_10 : vector<10240x1xf32>
    %rsqrt3A = math.rsqrt %add3A_11 : vector<10240x1xf32>
    %swap3A = arith.constant 0 : index
    %swap3A_12 = arith.constant 0 : index
    %swap3A_13 = vector.load %arg4[%swap3A, %swap3A_12] : memref<10240x1xf32, #tpu.memory_space<vmem>>, vector<10240x1xf32>
    tpu.vector_store %arg4[%swap3A, %swap3A_12], %rsqrt3A {strides = array<i32>} : memref<10240x1xf32, #tpu.memory_space<vmem>>, vector<10240x1xf32>,
    %get3A_14 = arith.constant 0 : index
    %get3A_15 = arith.constant 0 : index
    %get3A_16 = vector.load %arg0[%get3A_14, %get3A_15] : memref<10000x128xf32, #tpu.memory_space<vmem>>, vector<10000x128xf32>
    %get3A_17 = arith.constant 0 : index
    %get3A_18 = arith.constant 0 : index
    %get3A_19 = vector.load %arg1[%get3A_17, %get3A_18] : memref<128x128xf32, #tpu.memory_space<vmem>>, vector<128x128xf32>
    %dot_general3A = arith.constant dense<0.000000e+00> : vector<10000x128xf32>
    %dot_general3A_20 = tpu.matmul %get3A_16, %get3A_19, %dot_general3A {dimension_numbers = #tpu.dot_dimension_numbers<[1], [0], [0], [1], [0, 0, 1, 1], [], []>, transpose_lhs_hint = false} : vector<10000x128xf32>, vector<128x128xf32>, vector<10000x128xf32> -> vector<10000x128xf32>
    %slice3A = vector.extract_strided_slice %rsqrt3A {offsets = [0, 0], sizes = [10000, 1], strides = [1, 1]} : vector<10240x1xf32> to vector<10000x1xf32>
    %mul3A = vector.broadcast %slice3A : vector<10000x1xf32> to vector<10000x128xf32>
    %mul3A_21 = arith.mulf %dot_general3A_20, %mul3A : vector<10000x128xf32>
    %swap3A_22 = arith.constant 0 : index
    %swap3A_23 = arith.constant 0 : index
    %swap3A_24 = vector.load %arg3[%swap3A_22, %swap3A_23] : memref<10000x128xf32, #tpu.memory_space<vmem>>, vector<10000x128xf32>
    tpu.vector_store %arg3[%swap3A_22, %swap3A_23], %mul3A_21 {strides = array<i32>} : memref<10000x128xf32, #tpu.memory_space<vmem>>, vector<10000x128xf32>,
    return
  }
}

module attributes {stable_mosaic.version = 14 : i64} {
  func.func @_tc_b_body(%arg0: memref<2x10240x128xf32, #tpu.memory_space<vmem>>, %arg1: memref<10000x128xf32, #tpu.memory_space<vmem>>, %arg2: memref<10240x1xf32, #tpu.memory_space<vmem>>, %arg3: memref<1x128xf32, #tpu.memory_space<vmem>>, %arg4: memref<1x128xf32, #tpu.memory_space<vmem>>, %arg5: memref<1x128xf32, #tpu.memory_space<vmem>>, %arg6: memref<10000x128xf32, #tpu.memory_space<vmem>>) attributes {dimension_semantics = [], scalar_prefetch = 0 : i64, scratch_operands = 0 : i64, tpu.core_type = #tpu.core_type<tc>} {
    %get3A = arith.constant 0 : index
    %get3A_0 = arith.constant 0 : index
    %get3A_1 = vector.load %arg2[%get3A, %get3A_0] : memref<10240x1xf32, #tpu.memory_space<vmem>>, vector<10000x1xf32>
    %get3A_2 = arith.constant 0 : index
    %get3A_3 = arith.constant 0 : index
    %get3A_4 = arith.constant 0 : index
    %get3A_5 = vector.load %arg0[%get3A_2, %get3A_3, %get3A_4] : memref<2x10240x128xf32, #tpu.memory_space<vmem>>, vector<1x10000x128xf32>
    %get3A_6 = vector.shape_cast %get3A_5 : vector<1x10000x128xf32> to vector<10000x128xf32>
    %get3A_7 = arith.constant 1 : index
    %get3A_8 = arith.constant 0 : index
    %get3A_9 = arith.constant 0 : index
    %get3A_10 = vector.load %arg0[%get3A_7, %get3A_8, %get3A_9] : memref<2x10240x128xf32, #tpu.memory_space<vmem>>, vector<1x10000x128xf32>
    %get3A_11 = vector.shape_cast %get3A_10 : vector<1x10000x128xf32> to vector<10000x128xf32>
    %add3A = arith.addf %get3A_6, %get3A_11 : vector<10000x128xf32>
    %get3A_12 = arith.constant 0 : index
    %get3A_13 = arith.constant 0 : index
    %get3A_14 = vector.load %arg1[%get3A_12, %get3A_13] : memref<10000x128xf32, #tpu.memory_space<vmem>>, vector<10000x128xf32>
    %add3A_15 = arith.addf %add3A, %get3A_14 : vector<10000x128xf32>
    %mul3A = vector.broadcast %get3A_1 : vector<10000x1xf32> to vector<10000x128xf32>
    %mul3A_16 = arith.mulf %mul3A, %add3A_15 : vector<10000x128xf32>
    %get3A_17 = arith.constant 0 : index
    %get3A_18 = arith.constant 0 : index
    %get3A_19 = vector.load %arg3[%get3A_17, %get3A_18] : memref<1x128xf32, #tpu.memory_space<vmem>>, vector<1x128xf32>
    %add3A_20 = vector.broadcast %get3A_19 : vector<1x128xf32> to vector<10000x128xf32>
    %add3A_21 = arith.addf %mul3A_16, %add3A_20 : vector<10000x128xf32>
    %reduce_sum3A = arith.constant dense<0.000000e+00> : vector<128xf32>
    %reduce_sum3A_22 = vector.multi_reduction <add>, %add3A_21, %reduce_sum3A [0] : vector<10000x128xf32> to vector<128xf32>
    %broadcast_in_dim3A = vector.shape_cast %reduce_sum3A_22 : vector<128xf32> to vector<1x128xf32>
    %div3A = arith.constant 1.000000e+04 : f32
    %div3A_23 = vector.broadcast %div3A : f32 to vector<1x128xf32>
    %div3A_24 = arith.divf %broadcast_in_dim3A, %div3A_23 : vector<1x128xf32>
    %sub3A = vector.broadcast %div3A_24 : vector<1x128xf32> to vector<10000x128xf32>
    %sub3A_25 = arith.subf %add3A_21, %sub3A : vector<10000x128xf32>
    %sub3A_26 = vector.broadcast %div3A_24 : vector<1x128xf32> to vector<10000x128xf32>
    %sub3A_27 = arith.subf %add3A_21, %sub3A_26 : vector<10000x128xf32>
    %mul3A_28 = arith.mulf %sub3A_25, %sub3A_27 : vector<10000x128xf32>
    %reduce_sum3A_29 = arith.constant dense<0.000000e+00> : vector<128xf32>
    %reduce_sum3A_30 = vector.multi_reduction <add>, %mul3A_28, %reduce_sum3A_29 [0] : vector<10000x128xf32> to vector<128xf32>
    %broadcast_in_dim3A_31 = vector.shape_cast %reduce_sum3A_30 : vector<128xf32> to vector<1x128xf32>
    %div3A_32 = arith.constant 1.000000e+04 : f32
    %div3A_33 = vector.broadcast %div3A_32 : f32 to vector<1x128xf32>
    %div3A_34 = arith.divf %broadcast_in_dim3A_31, %div3A_33 : vector<1x128xf32>
    %sub3A_35 = vector.broadcast %div3A_24 : vector<1x128xf32> to vector<10000x128xf32>
    %sub3A_36 = arith.subf %add3A_21, %sub3A_35 : vector<10000x128xf32>
    %get3A_37 = arith.constant 0 : index
    %get3A_38 = arith.constant 0 : index
    %get3A_39 = vector.load %arg4[%get3A_37, %get3A_38] : memref<1x128xf32, #tpu.memory_space<vmem>>, vector<1x128xf32>
    %add3A_40 = arith.constant 9.99999974E-6 : f32
    %add3A_41 = vector.broadcast %add3A_40 : f32 to vector<1x128xf32>
    %add3A_42 = arith.addf %div3A_34, %add3A_41 : vector<1x128xf32>
    %sqrt3A = math.sqrt %add3A_42 : vector<1x128xf32>
    %div3A_43 = arith.divf %get3A_39, %sqrt3A : vector<1x128xf32>
    %mul3A_44 = vector.broadcast %div3A_43 : vector<1x128xf32> to vector<10000x128xf32>
    %mul3A_45 = arith.mulf %sub3A_36, %mul3A_44 : vector<10000x128xf32>
    %get3A_46 = arith.constant 0 : index
    %get3A_47 = arith.constant 0 : index
    %get3A_48 = vector.load %arg5[%get3A_46, %get3A_47] : memref<1x128xf32, #tpu.memory_space<vmem>>, vector<1x128xf32>
    %add3A_49 = vector.broadcast %get3A_48 : vector<1x128xf32> to vector<10000x128xf32>
    %add3A_50 = arith.addf %mul3A_45, %add3A_49 : vector<10000x128xf32>
    %max3A = arith.constant 0.000000e+00 : f32
    %max3A_51 = vector.broadcast %max3A : f32 to vector<10000x128xf32>
    %max3A_52 = arith.maximumf %add3A_50, %max3A_51 : vector<10000x128xf32>
    %mul3A_53 = vector.broadcast %get3A_1 : vector<10000x1xf32> to vector<10000x128xf32>
    %mul3A_54 = arith.mulf %max3A_52, %mul3A_53 : vector<10000x128xf32>
    %swap3A = arith.constant 0 : index
    %swap3A_55 = arith.constant 0 : index
    %swap3A_56 = vector.load %arg6[%swap3A, %swap3A_55] : memref<10000x128xf32, #tpu.memory_space<vmem>>, vector<10000x128xf32>
    tpu.vector_store %arg6[%swap3A, %swap3A_55], %mul3A_54 {strides = array<i32>} : memref<10000x128xf32, #tpu.memory_space<vmem>>, vector<10000x128xf32>,
    return
  }
}

module attributes {stable_mosaic.version = 14 : i64} {
  func.func @_tc_c_body(%arg0: memref<2x10240x128xf32, #tpu.memory_space<vmem>>, %arg1: memref<10000x128xf32, #tpu.memory_space<vmem>>, %arg2: memref<10240x1xf32, #tpu.memory_space<vmem>>, %arg3: memref<128x40xf32, #tpu.memory_space<vmem>>, %arg4: memref<1x40xf32, #tpu.memory_space<vmem>>, %arg5: memref<10000x40xf32, #tpu.memory_space<vmem>>) attributes {dimension_semantics = [], scalar_prefetch = 0 : i64, scratch_operands = 0 : i64, tpu.core_type = #tpu.core_type<tc>} {
    %get3A = arith.constant 0 : index
    %get3A_0 = arith.constant 0 : index
    %get3A_1 = arith.constant 0 : index
    %get3A_2 = vector.load %arg0[%get3A, %get3A_0, %get3A_1] : memref<2x10240x128xf32, #tpu.memory_space<vmem>>, vector<1x10000x128xf32>
    %get3A_3 = vector.shape_cast %get3A_2 : vector<1x10000x128xf32> to vector<10000x128xf32>
    %get3A_4 = arith.constant 1 : index
    %get3A_5 = arith.constant 0 : index
    %get3A_6 = arith.constant 0 : index
    %get3A_7 = vector.load %arg0[%get3A_4, %get3A_5, %get3A_6] : memref<2x10240x128xf32, #tpu.memory_space<vmem>>, vector<1x10000x128xf32>
    %get3A_8 = vector.shape_cast %get3A_7 : vector<1x10000x128xf32> to vector<10000x128xf32>
    %add3A = arith.addf %get3A_3, %get3A_8 : vector<10000x128xf32>
    %get3A_9 = arith.constant 0 : index
    %get3A_10 = arith.constant 0 : index
    %get3A_11 = vector.load %arg1[%get3A_9, %get3A_10] : memref<10000x128xf32, #tpu.memory_space<vmem>>, vector<10000x128xf32>
    %add3A_12 = arith.addf %add3A, %get3A_11 : vector<10000x128xf32>
    %get3A_13 = arith.constant 0 : index
    %get3A_14 = arith.constant 0 : index
    %get3A_15 = vector.load %arg2[%get3A_13, %get3A_14] : memref<10240x1xf32, #tpu.memory_space<vmem>>, vector<10000x1xf32>
    %get3A_16 = arith.constant 0 : index
    %get3A_17 = arith.constant 0 : index
    %get3A_18 = vector.load %arg3[%get3A_16, %get3A_17] : memref<128x40xf32, #tpu.memory_space<vmem>>, vector<128x40xf32>
    %dot_general3A = arith.constant dense<0.000000e+00> : vector<10000x40xf32>
    %dot_general3A_19 = tpu.matmul %add3A_12, %get3A_18, %dot_general3A {dimension_numbers = #tpu.dot_dimension_numbers<[1], [0], [0], [1], [0, 0, 1, 1], [], []>, transpose_lhs_hint = false} : vector<10000x128xf32>, vector<128x40xf32>, vector<10000x40xf32> -> vector<10000x40xf32>
    %mul3A = vector.broadcast %get3A_15 : vector<10000x1xf32> to vector<10000x40xf32>
    %mul3A_20 = arith.mulf %mul3A, %dot_general3A_19 : vector<10000x40xf32>
    %get3A_21 = arith.constant 0 : index
    %get3A_22 = arith.constant 0 : index
    %get3A_23 = vector.load %arg4[%get3A_21, %get3A_22] : memref<1x40xf32, #tpu.memory_space<vmem>>, vector<1x40xf32>
    %add3A_24 = vector.broadcast %get3A_23 : vector<1x40xf32> to vector<10000x40xf32>
    %add3A_25 = arith.addf %mul3A_20, %add3A_24 : vector<10000x40xf32>
    %swap3A = arith.constant 0 : index
    %swap3A_26 = arith.constant 0 : index
    %swap3A_27 = vector.load %arg5[%swap3A, %swap3A_26] : memref<10000x40xf32, #tpu.memory_space<vmem>>, vector<10000x40xf32>
    tpu.vector_store %arg5[%swap3A, %swap3A_26], %add3A_25 {strides = array<i32>} : memref<10000x40xf32, #tpu.memory_space<vmem>>, vector<10000x40xf32>,
    return
  }
}

</mosaic_0001>

<sc_bundles>
// kernel: kernel.11.cloned.1.call-start
scs
__scs_entry_jumppad:
0x0: {  	(pc) =	sbr.rel $0x88, $3  }
0x1: {  	(tag) =	ssettag $0x0;
	lr =	simm.s32 $0x1  }
0x2: {  	[smem:$0x3F99] =	sst lr;
	_ =	strace $0xD0000000  }
0x3: {  	_ = 	snop  }
0x4: {  	_ = 	snop  }
0x5: {  	_ = 	snop  }
0x6: {  	_ = 	snop  }
0x7: {  	_ = 	snop  }
__scs_overlays_trampoline_lowered:
0x8: {  	[smem:$0x3FA8] =	sst s0  }
0x9: {  	[smem:$0x3FA9] =	sst s1  }
0xa: {  	[smem:$0x3FAA] =	sst s2  }
0xb: {  	[smem:$0x3FAB] =	sst s3  }
0xc: {  	[smem:$0x3FAC] =	sst s4  }
0xd: {  	[smem:$0x3FAD] =	sst s5  }
0xe: {  	[smem:$0x3FAE] =	sst s6  }
0xf: {  	[smem:$0x3FAF] =	sst s7  }
0x10: {  	[smem:$0x3FB0] =	sst s8  }
0x11: {  	[smem:$0x3FB1] =	sst s9;
	s0 =	simm.s32 @!p0 $0x0  }
0x12: {  	s1 =	sld [smem:$0x3F97];
	s0 =	simm.s32 @p0 $0x1  }
0x13: {  	[smem:$0x3FB2] =	sst s0;
	s0 =	simm.s32 @!p1 $0x0  }
0x14: {  	s2 =	sld [smem:$0x3F96];
	s0 =	simm.s32 @p1 $0x1  }
0x15: {  	[smem:$0x3FB3] =	sst s0;
	s0 =	simm.s32 @!p2 $0x0  }
0x16: {  	s3 =	sld [smem:$0x3FDB];
	s0 =	simm.s32 @p2 $0x1  }
0x17: {  	s4 =	simm.s32 $0x1BF5;
	[smem:$0x3FB5] =	sst s0  }
0x18: {  	s0 =	sld [smem:$0x3F98];
	_ =	swait.ge [sflag:s4], $0x0  }
0x19: {  	s7 =	sld [smem:$0x3F99]  }
0x1a: {  	s8 =	sadd.s32 $0xFFFFE003, lr  }
0x1b: {  	s9 =	sadd.s32 $0xFFFFFEF7, lr;
	s5 =	simm.s32 $0xFFFFFFFF;
	p2 =	slt.u32 s8, $0xFFFFF086  }
0x1c: {  	p1 =	slt.u32 s9, $0xF7A;
	s5 =	simm.s32 @!p2 $0x0  }
0x1d: {  	s5 =	simm.s32 @p1 $0x1;
	p0 =	seq.s32 s7, s2  }
0x1e: {  	s7 =	smul.u32 @!p0 $0xF7A, s2;
	p2 =	seq.s32 @!p0 s5, $0x0  }
0x1f: {  	s9 =	smul.u32 $0xF7A, s1;
	s8 =	simm.s32 @!p0 $0x1BF5;
	p2 =	por !p2, p0  }
0x20: {  	[sflag:s8] =	ssyncset.s32 @!p0 $0xFFFFF086;
	s6 =	sadd.s32 @!p0 s3, s7;
	s7 =	simm.s32 @!p0 $0x108  }
0x21: {  	s3 =	sadd.s32 s3, s9;
	s6 =	sadd.s32 @!p0 $0x88, s6;
	s7 =	simm.s32 @p2 $0x1082  }
0x22: {  	[simem:s7], [sflag:s8] =	dma.local @!p0 [hbm:s6], $0xF7A  }
0x23: {  	s9 =	sor.u32 $0xD0000000, s2;
	s6 =	simm.s32 $0x108;
	_ =	swait.ge @!p0 [sflag:s8], $0x0  }
0x24: {  	s3 =	sadd.s32 $0x88, s3;
	s6 =	simm.s32 @!p1 $0x1082;
	[sflag:s4] =	ssyncset.s32 $0xFFFFF086  }
0x25: {  	[simem:s6], [sflag:s4] =	dma.local [hbm:s3], $0xF7A  }
0x26: {  	[smem:$0x3F99] =	sst s1;
	(tag) =	ssettag s2;
	_ =	strace s9  }
0x27: {  	s1 =	sld [smem:$0x3FA9]  }
0x28: {  	s2 =	sld [smem:$0x3FAA]  }
0x29: {  	s4 =	sld [smem:$0x3FAC]  }
0x2a: {  	p0 =	seq.s32 s5, $0x0;
	s5 =	sld [smem:$0x3FAD]  }
0x2b: {  	s6 =	sld [smem:$0x3FAE]  }
0x2c: {  	s7 =	sld [smem:$0x3FAF]  }
0x2d: {  	s3 =	simm.s32 $0x108;
	s8 =	sld [smem:$0x3FB0]  }
0x2e: {  	s3 =	simm.s32 @!p0 $0x1082;
	s9 =	sld [smem:$0x3FB1]  }
0x2f: {  	lr =	sadd.s32 s0, s3;
	s0 =	sld [smem:$0x3FA8]  }
0x30: {  	s3 =	sld [smem:$0x3FAB]  }
0x31: {  	[smem:$0x3FB4] =	sst s10  }
0x32: {  	s10 =	sld [smem:$0x3FB2];
	_ =	sdelay $0x3  }
0x33: {  	p0 =	seq.s32 s10, $0x1;
	s10 =	sld [smem:$0x3FB4];
	_ =	sdelay $0x3  }
0x34: {  	[smem:$0x3FB4] =	sst s10  }
0x35: {  	s10 =	sld [smem:$0x3FB3];
	_ =	sdelay $0x3  }
0x36: {  	p1 =	seq.s32 s10, $0x1;
	s10 =	sld [smem:$0x3FB4];
	_ =	sdelay $0x3  }
0x37: {  	[smem:$0x3FB4] =	sst s10  }
0x38: {  	s10 =	sld [smem:$0x3FB5]  }
0x39: {  	_ = 	snop;
	(pc) =	sbr.ind lr, $3  }
0x3a: {  	_ = 	snop  }
0x3b: {  	_ = 	snop  }
0x3c: {  	p2 =	seq.s32 s10, $0x1;
	s10 =	sld [smem:$0x3FB4]  }
0x3d: {  	_ =	shalt  }
0x3e: {  	_ =	shalt  }
0x3f: {  	_ =	shalt  }
0x40: {  	_ =	shalt  }
0x41: {  	_ =	shalt  }
0x42: {  	_ =	shalt  }
0x43: {  	_ =	shalt  }
0x44: {  	_ =	shalt  }
0x45: {  	_ =	shalt  }
0x46: {  	_ =	shalt  }
0x47: {  	_ =	shalt  }
0x48: {  	_ =	shalt  }
0x49: {  	_ =	shalt  }
0x4a: {  	_ =	shalt  }
0x4b: {  	_ =	shalt  }
0x4c: {  	_ =	shalt  }
0x4d: {  	_ =	shalt  }
0x4e: {  	_ =	shalt  }
0x4f: {  	_ =	shalt  }
0x50: {  	_ =	shalt  }
0x51: {  	_ =	shalt  }
0x52: {  	_ =	shalt  }
0x53: {  	_ =	shalt  }
0x54: {  	_ =	shalt  }
0x55: {  	_ =	shalt  }
0x56: {  	_ =	shalt  }
0x57: {  	_ =	shalt  }
0x58: {  	_ =	shalt  }
0x59: {  	_ =	shalt  }
0x5a: {  	_ =	shalt  }
0x5b: {  	_ =	shalt  }
0x5c: {  	_ =	shalt  }
0x5d: {  	_ =	shalt  }
0x5e: {  	_ =	shalt  }
0x5f: {  	_ =	shalt  }
0x60: {  	_ =	shalt  }
0x61: {  	_ =	shalt  }
0x62: {  	_ =	shalt  }
0x63: {  	_ =	shalt  }
0x64: {  	_ =	shalt  }
0x65: {  	_ =	shalt  }
0x66: {  	_ =	shalt  }
0x67: {  	_ =	shalt  }
0x68: {  	_ =	shalt  }
0x69: {  	_ =	shalt  }
0x6a: {  	_ =	shalt  }
0x6b: {  	_ =	shalt  }
0x6c: {  	_ =	shalt  }
0x6d: {  	_ =	shalt  }
0x6e: {  	_ =	shalt  }
0x6f: {  	_ =	shalt  }
0x70: {  	_ =	shalt  }
0x71: {  	_ =	shalt  }
0x72: {  	_ =	shalt  }
0x73: {  	_ =	shalt  }
0x74: {  	_ =	shalt  }
0x75: {  	_ =	shalt  }
0x76: {  	_ =	shalt  }
0x77: {  	_ =	shalt  }
0x78: {  	_ =	shalt  }
0x79: {  	_ =	shalt  }
0x7a: {  	_ =	shalt  }
0x7b: {  	_ =	shalt  }
0x7c: {  	_ =	shalt  }
0x7d: {  	_ =	shalt  }
0x7e: {  	_ =	shalt  }
0x7f: {  	_ =	shalt  }
0x80: {  	_ =	shalt  }
0x81: {  	_ =	shalt  }
0x82: {  	_ =	shalt  }
0x83: {  	_ =	shalt  }
0x84: {  	_ =	shalt  }
0x85: {  	_ =	shalt  }
0x86: {  	_ =	shalt  }
0x87: {  	_ =	shalt  }
.Lfunc_end0:
.L_simem_size_0:
called_computation.1_lowered:
.L_overlay_start_0:
0x88: {  	s2 =	sld [smem:$0x3FD9]  }
0x89: {  	s3 =	sld [smem:$0x3FFE];
	_ =	sdelay $0x1  }
0x8a: {  	s1 =	srdreg.scid  }
0x8b: {  	s0 =	sand.u32 $0x1, s1  }
0x8c: {  	s17 =	sshll.u32 s0, $0xA;
	s2 =	sadd.s32 s3, s2  }
0x8d: {  	s2 =	sadd.s32 s2, s17  }
0x8e: {  	[smem:$0x3FC0] =	sst s2  }
0x8f: {  	_ = 	snop  }
0x90: {  	s2 =	sld [smem:$0x3FD0];
	(tm) =	ssettm $0x1  }
0x91: {  	s18 =	sld [smem:$0x3FFB];
	_ =	sdelay $0x3  }
0x92: {  	_ =	strace s18  }
0x93: {  	s3 =	sld [smem:$0x3FFC];
	_ =	sdelay $0x3  }
0x94: {  	_ =	strace s3  }
0x95: {  	s3 =	sld [smem:$0x3FFD];
	_ =	sdelay $0x3  }
0x96: {  	_ =	strace s3  }
0x97: {  	_ =	strace $0x8FFFFFFF  }
0x98: {  	s19 =	sld [smem:$0x3FDB];
	_ =	sdelay $0x1  }
0x99: {  	s4 =	simm.s32 $_scs_section_size  }
0x9a: {  	s5 =	simm.s32 $_size__tile_overlayer_lowered;
	s6 =	simm.s32 $_tile_overlayer_lowered  }
0x9b: {  	s22 =	simm.s32 $0x1BFF;
	s21 =	sshll.u32 s6, $0x1;
	s3 =	sadd.s32 s4, s19  }
0x9c: {  	s7 =	simm.s32 $0x0;
	s20 =	sshll.u32 s5, $0x1;
	s5 =	sadd.s32 s21, s3  }
0x9d: {  	[timem:s7], [sflag:s22] =	dma.local [hbm:s5], s20  }
0x9e: {  	_ =	swait.ge [sflag:s22], s20  }
0x9f: {  	s4 =	ssub.s32 $0x0, s20;
	[sflag:s22] =	ssyncset.done $0x0  }
0xa0: {  	[sflag:s22] =	ssyncadd.s32 s4;
	_ =	sdelay $0x1  }
0xa1: {  	s23 =	simm.s32 $0x1B8B  }
0xa2: {  	_ =	swait.ge [sflag:s23], $0x1  }
0xa3: {  	[sflag:s23] =	ssyncset.done $0x0  }
0xa4: {  	s25 =	simm.s32 $0x1B8E;
	s24 =	sld [smem:$0x3FFE];
	[sflag:s23] =	ssyncadd.s32 $0xFFFFFFFF  }
0xa5: {  	s26 =	simm.s32 $execute0_lowered;
	[smem:$0x3FD2] =	sst s25  }
0xa6: {  	s5 =	sshll.u32 s26, $0x1;
	_ =	strace $0x80000049;
	[dreg:$0x1] =	wrdreg $0xFFFFFFFF  }
0xa7: {  	s28 =	simm.s32 $_size_execute0_lowered;
	s3 =	sadd.s32 s3, s5;
	[dreg:$0x0] =	wrdreg $0x0  }
0xa8: {  	s5 =	sshll.u32 s28, $0x1;
	[dreg:$0x2] =	wrdreg s3  }
0xa9: {  	[dreg:$0x3] =	wrdreg s5  }
0xaa: {  	[dreg:$0x4] =	wrdreg $0xC0  }
0xab: {  	_ =	task [dreg:s7], $0x5FFFF  }
0xac: {  	[dreg:$0x1] =	wrdreg $0xFFFFFFFF  }
0xad: {  	[dreg:$0x0] =	wrdreg $0x60  }
0xae: {  	[dreg:$0x2] =	wrdreg s24  }
0xaf: {  	[dreg:$0x3] =	wrdreg s2  }
0xb0: {  	[dreg:$0x4] =	wrdreg $0x29000  }
0xb1: {  	[dreg:$0x5] =	wrdreg $0x9  }
0xb2: {  	_ =	task.clear_ibuf [dreg:s7], $0x6FFFF;
	_ =	strace $0x90000049  }
0xb3: {  	s29 =	simm.s32 $0x9;
	_ =	strace $0x8000004B  }
0xb4: {  	_ =	swait.ge [sflag:s29], $0x1  }
0xb5: {  	[sflag:s29] =	ssyncadd.s32 $0xFFFFFFFF  }
0xb6: {  	_ =	strace $0x9000004B  }
0xb7: {  	_ =	sfence  }
0xb8: {  	s30 =	sld [smem:$0x0];
	_ =	sdelay $0x2  }
0xb9: {  	s31 =	sshll.u32 s1, $0xD;
	s1 =	sshrl.u32 s1, $0x2  }
0xba: {  	s3 =	sand.u32 $0x4000, s31;
	s1 =	sadd.s32 s1, s30  }
0xbb: {  	s0 =	sor.u32 s3, s0;
	s1 =	sshll.u32 s1, $0x11  }
0xbc: {  	s0 =	sor.u32 s1, s0  }
0xbd: {  	s0 =	sadd.s32 $0x8F2B, s0  }
0xbe: {  	[sflag:s0] =	ssyncadd.remote.s32 $0x1  }
0xbf: {  	_ =	sfence.sel $0xFFFF  }
0xc0: {  	[dreg:$0x0] =	wrdreg $0xFFFFFFFF;
	(pc) =	sbr.abs _section_cstart, $3  }
0xc1: {  	[dreg:$0x1] =	wrdreg $0xFFFFFFFF  }
0xc2: {  	_ =	task.clear_ibuf [dreg:s7], $0x2FFFF;
	_ =	strace $0x9FFFFFFF  }
0xc3: {  	(tm) =	ssettm $0x7FFFFFFF  }
tec
execute0_lowered:
.L_overlay_start_1:
0x0: {  	(tag) =	ssettag $0x1  }
0x1: {  	s6 =	rddreg [dreg:$0x0]  }
0x2: {  	s1 =	rddreg [dreg:$0x1]  }
0x3: {  	s2 =	rddreg [dreg:$0x2]  }
0x4: {  	s0 =	rddreg [dreg:$0x3];
	s4 =	simm.s32 $0x0;
	s3 =	srdreg.scid  }
0x5: {  	s14 =	simm.s32 $0x50;
	s15 =	simm.s32 $0x100;
	s7 =	sand.u32 $0x1, s3  }
0x6: {  	s16 =	simm.s32 $0x1;
	s3 =	stileid.u32;
	s8 =	smul.u32 $0x140000, s7  }
0x7: {  	s17 =	simm.s32 $0x0;
	[smem:$0x7FF] =	sst s4;
	s9 =	smul.u32 $0x14000, s3  }
0x8: {  	s10 =	sadd.s32 $0x2A00, s6;
	s5 =	sadd.s32 $0x16400, s6;
	s11 =	smul.u32 $0x50000, s3  }
0x9: {  	_ =	strace $0x8000004A;
	s25 =	ssub.s32 $0x2, s7;
	s7 =	smul.u32 $0x27100, s7  }
0xa: {  	s13 =	smul.u32 $0x2710, s3;
	s28 =	sshll.u32 s3, $0x6;
	s12 =	sshrl.u32 s25, $0x1  }
0xb: {  	s8 =	sadd.s32 s9, s8;
	s9 =	ssub.s32 s25, s12;
	s26 =	sshrl.u32 s11, $0x2  }
0xc: {  	s29 =	sadd.s32 s13, s7;
	s12 =	simm.s32 $0x2;
	s8 =	sshrl.u32 s8, $0x3  }
0xd: {  	s11 =	sadd.s32 s26, s2;
	s13 =	sadd.s32 $0x4E200, s29;
	s30 =	sshrl.u32 s29, $0x3  }
0xe: {  	s8 =	sadd.s32 s8, s6;
	s6 =	sor.u32 $0x1C02, s28;
	s31 =	sshrl.u32 s13, $0x3  }
0xf: {  	s11 =	sshrl.u32 s11, $0x3;
	s13 =	simm.s32 $0x80;
	s7 =	sadd.s32 $0x3D600, s8  }
0x10: {  	s8 =	smax.u32 s9, $0x1;
	s9 =	sadd.s32 s30, s10;
	s10 =	sadd.s32 s31, s10  }
.LBB2_1:
0x11: {  	[spmem:s11], [sflag:s6] =	dma.local [hbm:s1], $0x2800  }
0x12: {  	_ =	swait.ge [sflag:s12], $0x2800  }
0x13: {  	[sflag:s12] =	ssyncset.done $0x0  }
0x14: {  	[sflag:s12] =	ssyncadd.s32 $0xFFFFD800  }
0x15: {  	s18 =	sadd.s32 $0x0, s9;
	[bflag:$0x0] =	sbarrier.arrive $0xFFFF  }
0x16: {  	[tilespmem:s4], [sflag:$0x2] =	stream.linear.gather [hbm4b:s18+s4], $0x50, $0x38;
	[tilespmem:$0x16900] =	vst v63  }
0x17: {  	_ =	swait.ge [sflag:s12], $0x50  }
0x18: {  	[sflag:s12] =	ssyncset.done $0x0  }
0x19: {  	s31 =	sadd.s32 $0x0, s10;
	[sflag:s12] =	ssyncadd.s32 $0xFFFFFFB0  }
0x1a: {  	[tilespmem:s13], [sflag:$0x2] =	stream.linear.gather [hbm4b:s31+s4], $0x50, $0x38;
	[tilespmem:$0x16900] =	vst v63  }
0x1b: {  	_ =	swait.ge [sflag:s12], $0x50  }
0x1c: {  	[sflag:s12] =	ssyncset.done $0x0  }
0x1d: {  	[sflag:s12] =	ssyncadd.s32 $0xFFFFFFB0  }
0x1e: {  	[tilespmem:s15], [sflag:$0x1] =	stream.indirect.gather [hbm4b:s5+s14], $0x80, s4, s14, $0xb8;
	[tilespmem:$0x16900] =	vst v63  }
0x1f: {  	_ =	swait.ge [sflag:s16], $0x2800  }
0x20: {  	[sflag:s16] =	ssyncset.done $0x0  }
0x21: {  	[sflag:s16] =	ssyncadd.s32 $0xFFFFD800  }
0x22: {  	[spmem:s2] =	stream.indirect.scatter.add.f32 [tilespmem:s15], [sflag:$0x2], $0x80, s13, s14, $0xb8;
	[tilespmem:$0x16900] =	vst v63  }
0x23: {  	_ =	swait.ge [sflag:s12], $0x2800  }
0x24: {  	s19 =	simm.s32 $0x14;
	s18 =	simm.s32 $0xA;
	[sflag:s12] =	ssyncset.done $0x0  }
.LBB2_2:
0x25: {  	s20 =	sadd.s32 s18, s9  }
0x26: {  	[sflag:s12] =	ssyncadd.s32 $0xFFFFD800;
	s21 =	smov.u32 s19;
	s22 =	sadd.s32 $0xA, s19  }
0x27: {  	[tilespmem:s4], [sflag:$0x2] =	stream.linear.gather [hbm4b:s20+s4], $0x50, $0x38;
	[tilespmem:$0x16900] =	vst v63  }
0x28: {  	p0 =	sne.s32 s19, $0x4D8;
	_ =	swait.ge [sflag:s12], $0x50  }
0x29: {  	[sflag:s12] =	ssyncset.done $0x0  }
0x2a: {  	s19 =	sadd.s32 s18, s10;
	s18 =	smov.u32 s21;
	[sflag:s12] =	ssyncadd.s32 $0xFFFFFFB0  }
0x2b: {  	[tilespmem:s13], [sflag:$0x2] =	stream.linear.gather [hbm4b:s19+s4], $0x50, $0x38;
	[tilespmem:$0x16900] =	vst v63  }
0x2c: {  	_ =	swait.ge [sflag:s12], $0x50  }
0x2d: {  	[sflag:s12] =	ssyncset.done $0x0  }
0x2e: {  	[sflag:s12] =	ssyncadd.s32 $0xFFFFFFB0  }
0x2f: {  	[tilespmem:s15], [sflag:$0x1] =	stream.indirect.gather [hbm4b:s5+s14], $0x80, s4, s14, $0xb8;
	[tilespmem:$0x16900] =	vst v63  }
0x30: {  	_ =	swait.ge [sflag:s16], $0x2800  }
.Ltmp0:
0x31: {  	[sflag:s16] =	ssyncset.done $0x0;
	(pc) =	sbr.rel @p0 .LBB2_2-.Ltmp0, $4  }
0x32: {  	[sflag:s16] =	ssyncadd.s32 $0xFFFFD800  }
0x33: {  	[spmem:s2] =	stream.indirect.scatter.add.f32 [tilespmem:s15], [sflag:$0x2], $0x80, s13, s14, $0xb8;
	[tilespmem:$0x16900] =	vst v63  }
0x34: {  	_ =	swait.ge [sflag:s12], $0x2800  }
0x35: {  	s19 =	smov.u32 s22;
	[sflag:s12] =	ssyncset.done $0x0  }
0x36: {  	s19 =	sadd.s32 s18, s9;
	[sflag:s12] =	ssyncadd.s32 $0xFFFFD800  }
0x37: {  	[tilespmem:s4], [sflag:$0x2] =	stream.linear.gather [hbm4b:s19+s4], $0x50, $0x38;
	[tilespmem:$0x16900] =	vst v63  }
0x38: {  	_ =	swait.ge [sflag:s12], $0x50  }
0x39: {  	[sflag:s12] =	ssyncset.done $0x0  }
0x3a: {  	s31 =	sadd.s32 s18, s10;
	[sflag:s12] =	ssyncadd.s32 $0xFFFFFFB0  }
0x3b: {  	[tilespmem:s13], [sflag:$0x2] =	stream.linear.gather [hbm4b:s31+s4], $0x50, $0x38;
	[tilespmem:$0x16900] =	vst v63  }
0x3c: {  	_ =	swait.ge [sflag:s12], $0x50  }
0x3d: {  	[sflag:s12] =	ssyncset.done $0x0  }
0x3e: {  	[sflag:s12] =	ssyncadd.s32 $0xFFFFFFB0  }
0x3f: {  	[tilespmem:s15], [sflag:$0x1] =	stream.indirect.gather [hbm4b:s5+s14], $0x80, s4, s14, $0xb8;
	[tilespmem:$0x16900] =	vst v63  }
0x40: {  	_ =	swait.ge [sflag:s16], $0x2800  }
0x41: {  	[sflag:s16] =	ssyncset.done $0x0  }
0x42: {  	[sflag:s16] =	ssyncadd.s32 $0xFFFFD800  }
0x43: {  	[spmem:s2] =	stream.indirect.scatter.add.f32 [tilespmem:s15], [sflag:$0x2], $0x80, s13, s14, $0xb8;
	[tilespmem:$0x16900] =	vst v63  }
0x44: {  	_ =	swait.ge [sflag:s12], $0x2800  }
0x45: {  	s17 =	sadd.s32 $0x1, s17;
	[sflag:s12] =	ssyncset.done $0x0  }
0x46: {  	p0 =	sne.s32 s17, s8;
	[sflag:s12] =	ssyncadd.s32 $0xFFFFD800  }
.Ltmp1:
0x47: {  	[bflag:$0x0] =	sbarrier.arrive $0xFFFF;
	(pc) =	sbr.rel @p0 .LBB2_1-.Ltmp1, $4  }
0x48: {  	[hbm:s7], [sflag:s6] =	dma.local [spmem:s11], $0x2800  }
0x49: {  	_ =	swait.ge [sflag:s12], $0x2800  }
0x4a: {  	[sflag:s12] =	ssyncset.done $0x0  }
0x4b: {  	[sflag:s12] =	ssyncadd.s32 $0xFFFFD800  }
0x4c: {  	_ =	sfence.sel $0x180000  }
0x4d: {  	[bflag:$0x0] =	sbarrier.arrive $0xFFFF  }
0x4e: {  	p0 =	sne.s32 s3, $0x0;
	_ =	strace $0x9000004A  }
0x4f: {  	s0 =	sadd.s32 @!p0 $0x100000, s0;
	[bflag:$0x2] =	sbarrier.arrive $0xFFFF  }
0x50: {  	[sflag:s0] =	ssyncadd.tile.s32 @!p0 $0x1;
	_ =	shalt  }
.Lfunc_end2:
_tile_overlayer_lowered:
.L_overlay_start_2:
0x51: {  	(tag) =	ssettag $0x2  }
0x52: {  	s0 =	rddreg [dreg:$0x0];
	s2 =	stileid.u32  }
0x53: {  	s1 =	rddreg [dreg:$0x1];
	p0 =	sne.s32 s2, $0x0  }
0x54: {  	s3 =	rddreg [dreg:$0x2];
	[bflag:$0x3] =	sbarrier.arrive $0xFFFF;
	s2 =	simm.s32 @!p0 $0x1C02  }
0x55: {  	[timem:s3], [sflag:s2] =	dma.local @!p0 [hbm:s0], s1  }
0x56: {  	s0 =	simm.s32 @!p0 $0x2  }
0x57: {  	_ =	swait.ge @!p0 [sflag:s0], s1  }
0x58: {  	s1 =	ssub.s32 @!p0 $0x0, s1;
	[sflag:s0] =	ssyncset.done @!p0 $0x0  }
0x59: {  	[sflag:s0] =	ssyncadd.s32 @!p0 s1  }
0x5a: {  	[bflag:$0x3] =	sbarrier.arrive $0xFFFF  }
0x5b: {  	_ =	shalt  }

// kernel: kernel.14.cloned.1.call-start
scs
__scs_entry_jumppad:
0x0: {  	(pc) =	sbr.rel $0x88, $3  }
0x1: {  	(tag) =	ssettag $0x0;
	lr =	simm.s32 $0x1  }
0x2: {  	[smem:$0x3F99] =	sst lr;
	_ =	strace $0xD0000000  }
0x3: {  	_ = 	snop  }
0x4: {  	_ = 	snop  }
0x5: {  	_ = 	snop  }
0x6: {  	_ = 	snop  }
0x7: {  	_ = 	snop  }
__scs_overlays_trampoline_lowered:
0x8: {  	[smem:$0x3FA8] =	sst s0  }
0x9: {  	[smem:$0x3FA9] =	sst s1  }
0xa: {  	[smem:$0x3FAA] =	sst s2  }
0xb: {  	[smem:$0x3FAB] =	sst s3  }
0xc: {  	[smem:$0x3FAC] =	sst s4  }
0xd: {  	[smem:$0x3FAD] =	sst s5  }
0xe: {  	[smem:$0x3FAE] =	sst s6  }
0xf: {  	[smem:$0x3FAF] =	sst s7  }
0x10: {  	[smem:$0x3FB0] =	sst s8  }
0x11: {  	[smem:$0x3FB1] =	sst s9;
	s0 =	simm.s32 @!p0 $0x0  }
0x12: {  	s1 =	sld [smem:$0x3F97];
	s0 =	simm.s32 @p0 $0x1  }
0x13: {  	[smem:$0x3FB2] =	sst s0;
	s0 =	simm.s32 @!p1 $0x0  }
0x14: {  	s2 =	sld [smem:$0x3F96];
	s0 =	simm.s32 @p1 $0x1  }
0x15: {  	[smem:$0x3FB3] =	sst s0;
	s0 =	simm.s32 @!p2 $0x0  }
0x16: {  	s3 =	sld [smem:$0x3FDB];
	s0 =	simm.s32 @p2 $0x1  }
0x17: {  	s4 =	simm.s32 $0x1BF5;
	[smem:$0x3FB5] =	sst s0  }
0x18: {  	s0 =	sld [smem:$0x3F98];
	_ =	swait.ge [sflag:s4], $0x0  }
0x19: {  	s7 =	sld [smem:$0x3F99]  }
0x1a: {  	s8 =	sadd.s32 $0xFFFFE003, lr  }
0x1b: {  	s9 =	sadd.s32 $0xFFFFFEF7, lr;
	s5 =	simm.s32 $0xFFFFFFFF;
	p2 =	slt.u32 s8, $0xFFFFF086  }
0x1c: {  	p1 =	slt.u32 s9, $0xF7A;
	s5 =	simm.s32 @!p2 $0x0  }
0x1d: {  	s5 =	simm.s32 @p1 $0x1;
	p0 =	seq.s32 s7, s2  }
0x1e: {  	s7 =	smul.u32 @!p0 $0xF7A, s2;
	p2 =	seq.s32 @!p0 s5, $0x0  }
0x1f: {  	s9 =	smul.u32 $0xF7A, s1;
	s8 =	simm.s32 @!p0 $0x1BF5;
	p2 =	por !p2, p0  }
0x20: {  	[sflag:s8] =	ssyncset.s32 @!p0 $0xFFFFF086;
	s6 =	sadd.s32 @!p0 s3, s7;
	s7 =	simm.s32 @!p0 $0x108  }
0x21: {  	s3 =	sadd.s32 s3, s9;
	s6 =	sadd.s32 @!p0 $0x88, s6;
	s7 =	simm.s32 @p2 $0x1082  }
0x22: {  	[simem:s7], [sflag:s8] =	dma.local @!p0 [hbm:s6], $0xF7A  }
0x23: {  	s9 =	sor.u32 $0xD0000000, s2;
	s6 =	simm.s32 $0x108;
	_ =	swait.ge @!p0 [sflag:s8], $0x0  }
0x24: {  	s3 =	sadd.s32 $0x88, s3;
	s6 =	simm.s32 @!p1 $0x1082;
	[sflag:s4] =	ssyncset.s32 $0xFFFFF086  }
0x25: {  	[simem:s6], [sflag:s4] =	dma.local [hbm:s3], $0xF7A  }
0x26: {  	[smem:$0x3F99] =	sst s1;
	(tag) =	ssettag s2;
	_ =	strace s9  }
0x27: {  	s1 =	sld [smem:$0x3FA9]  }
0x28: {  	s2 =	sld [smem:$0x3FAA]  }
0x29: {  	s4 =	sld [smem:$0x3FAC]  }
0x2a: {  	p0 =	seq.s32 s5, $0x0;
	s5 =	sld [smem:$0x3FAD]  }
0x2b: {  	s6 =	sld [smem:$0x3FAE]  }
0x2c: {  	s7 =	sld [smem:$0x3FAF]  }
0x2d: {  	s3 =	simm.s32 $0x108;
	s8 =	sld [smem:$0x3FB0]  }
0x2e: {  	s3 =	simm.s32 @!p0 $0x1082;
	s9 =	sld [smem:$0x3FB1]  }
0x2f: {  	lr =	sadd.s32 s0, s3;
	s0 =	sld [smem:$0x3FA8]  }
0x30: {  	s3 =	sld [smem:$0x3FAB]  }
0x31: {  	[smem:$0x3FB4] =	sst s10  }
0x32: {  	s10 =	sld [smem:$0x3FB2];
	_ =	sdelay $0x3  }
0x33: {  	p0 =	seq.s32 s10, $0x1;
	s10 =	sld [smem:$0x3FB4];
	_ =	sdelay $0x3  }
0x34: {  	[smem:$0x3FB4] =	sst s10  }
0x35: {  	s10 =	sld [smem:$0x3FB3];
	_ =	sdelay $0x3  }
0x36: {  	p1 =	seq.s32 s10, $0x1;
	s10 =	sld [smem:$0x3FB4];
	_ =	sdelay $0x3  }
0x37: {  	[smem:$0x3FB4] =	sst s10  }
0x38: {  	s10 =	sld [smem:$0x3FB5]  }
0x39: {  	_ = 	snop;
	(pc) =	sbr.ind lr, $3  }
0x3a: {  	_ = 	snop  }
0x3b: {  	_ = 	snop  }
0x3c: {  	p2 =	seq.s32 s10, $0x1;
	s10 =	sld [smem:$0x3FB4]  }
0x3d: {  	_ =	shalt  }
0x3e: {  	_ =	shalt  }
0x3f: {  	_ =	shalt  }
0x40: {  	_ =	shalt  }
0x41: {  	_ =	shalt  }
0x42: {  	_ =	shalt  }
0x43: {  	_ =	shalt  }
0x44: {  	_ =	shalt  }
0x45: {  	_ =	shalt  }
0x46: {  	_ =	shalt  }
0x47: {  	_ =	shalt  }
0x48: {  	_ =	shalt  }
0x49: {  	_ =	shalt  }
0x4a: {  	_ =	shalt  }
0x4b: {  	_ =	shalt  }
0x4c: {  	_ =	shalt  }
0x4d: {  	_ =	shalt  }
0x4e: {  	_ =	shalt  }
0x4f: {  	_ =	shalt  }
0x50: {  	_ =	shalt  }
0x51: {  	_ =	shalt  }
0x52: {  	_ =	shalt  }
0x53: {  	_ =	shalt  }
0x54: {  	_ =	shalt  }
0x55: {  	_ =	shalt  }
0x56: {  	_ =	shalt  }
0x57: {  	_ =	shalt  }
0x58: {  	_ =	shalt  }
0x59: {  	_ =	shalt  }
0x5a: {  	_ =	shalt  }
0x5b: {  	_ =	shalt  }
0x5c: {  	_ =	shalt  }
0x5d: {  	_ =	shalt  }
0x5e: {  	_ =	shalt  }
0x5f: {  	_ =	shalt  }
0x60: {  	_ =	shalt  }
0x61: {  	_ =	shalt  }
0x62: {  	_ =	shalt  }
0x63: {  	_ =	shalt  }
0x64: {  	_ =	shalt  }
0x65: {  	_ =	shalt  }
0x66: {  	_ =	shalt  }
0x67: {  	_ =	shalt  }
0x68: {  	_ =	shalt  }
0x69: {  	_ =	shalt  }
0x6a: {  	_ =	shalt  }
0x6b: {  	_ =	shalt  }
0x6c: {  	_ =	shalt  }
0x6d: {  	_ =	shalt  }
0x6e: {  	_ =	shalt  }
0x6f: {  	_ =	shalt  }
0x70: {  	_ =	shalt  }
0x71: {  	_ =	shalt  }
0x72: {  	_ =	shalt  }
0x73: {  	_ =	shalt  }
0x74: {  	_ =	shalt  }
0x75: {  	_ =	shalt  }
0x76: {  	_ =	shalt  }
0x77: {  	_ =	shalt  }
0x78: {  	_ =	shalt  }
0x79: {  	_ =	shalt  }
0x7a: {  	_ =	shalt  }
0x7b: {  	_ =	shalt  }
0x7c: {  	_ =	shalt  }
0x7d: {  	_ =	shalt  }
0x7e: {  	_ =	shalt  }
0x7f: {  	_ =	shalt  }
0x80: {  	_ =	shalt  }
0x81: {  	_ =	shalt  }
0x82: {  	_ =	shalt  }
0x83: {  	_ =	shalt  }
0x84: {  	_ =	shalt  }
0x85: {  	_ =	shalt  }
0x86: {  	_ =	shalt  }
0x87: {  	_ =	shalt  }
.Lfunc_end0:
.L_simem_size_0:
called_computation.2_lowered:
.L_overlay_start_0:
0x88: {  	s2 =	sld [smem:$0x3FD9]  }
0x89: {  	s3 =	sld [smem:$0x3FFE];
	_ =	sdelay $0x1  }
0x8a: {  	s1 =	srdreg.scid  }
0x8b: {  	s0 =	sand.u32 $0x1, s1  }
0x8c: {  	s17 =	sshll.u32 s0, $0xA;
	s2 =	sadd.s32 s3, s2  }
0x8d: {  	s2 =	sadd.s32 s2, s17  }
0x8e: {  	[smem:$0x3FC0] =	sst s2  }
0x8f: {  	_ = 	snop  }
0x90: {  	s2 =	sld [smem:$0x3FD0];
	(tm) =	ssettm $0x1  }
0x91: {  	s18 =	sld [smem:$0x3FFB];
	_ =	sdelay $0x3  }
0x92: {  	_ =	strace s18  }
0x93: {  	s3 =	sld [smem:$0x3FFC];
	_ =	sdelay $0x3  }
0x94: {  	_ =	strace s3  }
0x95: {  	s3 =	sld [smem:$0x3FFD];
	_ =	sdelay $0x3  }
0x96: {  	_ =	strace s3  }
0x97: {  	_ =	strace $0x8FFFFFFF  }
0x98: {  	s19 =	sld [smem:$0x3FDB];
	_ =	sdelay $0x1  }
0x99: {  	s4 =	simm.s32 $_scs_section_size  }
0x9a: {  	s5 =	simm.s32 $_size__tile_overlayer_lowered;
	s6 =	simm.s32 $_tile_overlayer_lowered  }
0x9b: {  	s22 =	simm.s32 $0x1BFF;
	s21 =	sshll.u32 s6, $0x1;
	s3 =	sadd.s32 s4, s19  }
0x9c: {  	s7 =	simm.s32 $0x0;
	s20 =	sshll.u32 s5, $0x1;
	s5 =	sadd.s32 s21, s3  }
0x9d: {  	[timem:s7], [sflag:s22] =	dma.local [hbm:s5], s20  }
0x9e: {  	_ =	swait.ge [sflag:s22], s20  }
0x9f: {  	s4 =	ssub.s32 $0x0, s20;
	[sflag:s22] =	ssyncset.done $0x0  }
0xa0: {  	[sflag:s22] =	ssyncadd.s32 s4;
	_ =	sdelay $0x1  }
0xa1: {  	s23 =	simm.s32 $0x1B8B  }
0xa2: {  	_ =	swait.ge [sflag:s23], $0x1  }
0xa3: {  	[sflag:s23] =	ssyncset.done $0x0  }
0xa4: {  	s25 =	simm.s32 $0x1B8E;
	s24 =	sld [smem:$0x3FFE];
	[sflag:s23] =	ssyncadd.s32 $0xFFFFFFFF  }
0xa5: {  	s26 =	simm.s32 $execute0_lowered;
	[smem:$0x3FD2] =	sst s25  }
0xa6: {  	s5 =	sshll.u32 s26, $0x1;
	_ =	strace $0x8000004C;
	[dreg:$0x1] =	wrdreg $0xFFFFFFFF  }
0xa7: {  	s28 =	simm.s32 $_size_execute0_lowered;
	s3 =	sadd.s32 s3, s5;
	[dreg:$0x0] =	wrdreg $0x0  }
0xa8: {  	s5 =	sshll.u32 s28, $0x1;
	[dreg:$0x2] =	wrdreg s3  }
0xa9: {  	[dreg:$0x3] =	wrdreg s5  }
0xaa: {  	[dreg:$0x4] =	wrdreg $0xC0  }
0xab: {  	_ =	task [dreg:s7], $0x5FFFF  }
0xac: {  	[dreg:$0x1] =	wrdreg $0xFFFFFFFF  }
0xad: {  	[dreg:$0x0] =	wrdreg $0x60  }
0xae: {  	[dreg:$0x2] =	wrdreg s24  }
0xaf: {  	[dreg:$0x3] =	wrdreg s2  }
0xb0: {  	[dreg:$0x4] =	wrdreg $0x29000  }
0xb1: {  	[dreg:$0x5] =	wrdreg $0x9  }
0xb2: {  	_ =	task.clear_ibuf [dreg:s7], $0x6FFFF;
	_ =	strace $0x9000004C  }
0xb3: {  	s29 =	simm.s32 $0x9;
	_ =	strace $0x8000004E  }
0xb4: {  	_ =	swait.ge [sflag:s29], $0x1  }
0xb5: {  	[sflag:s29] =	ssyncadd.s32 $0xFFFFFFFF  }
0xb6: {  	_ =	strace $0x9000004E  }
0xb7: {  	_ =	sfence  }
0xb8: {  	s30 =	sld [smem:$0x0];
	_ =	sdelay $0x2  }
0xb9: {  	s31 =	sshll.u32 s1, $0xD;
	s1 =	sshrl.u32 s1, $0x2  }
0xba: {  	s3 =	sand.u32 $0x4000, s31;
	s1 =	sadd.s32 s1, s30  }
0xbb: {  	s0 =	sor.u32 s3, s0;
	s1 =	sshll.u32 s1, $0x11  }
0xbc: {  	s0 =	sor.u32 s1, s0  }
0xbd: {  	s0 =	sadd.s32 $0x8F2B, s0  }
0xbe: {  	[sflag:s0] =	ssyncadd.remote.s32 $0x1  }
0xbf: {  	_ =	sfence.sel $0xFFFF  }
0xc0: {  	[dreg:$0x0] =	wrdreg $0xFFFFFFFF;
	(pc) =	sbr.abs _section_cstart, $3  }
0xc1: {  	[dreg:$0x1] =	wrdreg $0xFFFFFFFF  }
0xc2: {  	_ =	task.clear_ibuf [dreg:s7], $0x2FFFF;
	_ =	strace $0x9FFFFFFF  }
0xc3: {  	(tm) =	ssettm $0x7FFFFFFF  }
tec
execute0_lowered:
.L_overlay_start_1:
0x0: {  	(tag) =	ssettag $0x1  }
0x1: {  	s6 =	rddreg [dreg:$0x0]  }
0x2: {  	s1 =	rddreg [dreg:$0x1]  }
0x3: {  	s2 =	rddreg [dreg:$0x2]  }
0x4: {  	s0 =	rddreg [dreg:$0x3];
	s4 =	simm.s32 $0x0;
	s3 =	srdreg.scid  }
0x5: {  	s14 =	simm.s32 $0x50;
	s15 =	simm.s32 $0x100;
	s7 =	sand.u32 $0x1, s3  }
0x6: {  	s16 =	simm.s32 $0x1;
	s3 =	stileid.u32;
	s8 =	smul.u32 $0x140000, s7  }
0x7: {  	s17 =	simm.s32 $0x0;
	[smem:$0x7FF] =	sst s4;
	s9 =	smul.u32 $0x14000, s3  }
0x8: {  	s10 =	sadd.s32 $0x2A00, s6;
	s5 =	sadd.s32 $0x16400, s6;
	s11 =	smul.u32 $0x50000, s3  }
0x9: {  	_ =	strace $0x8000004D;
	s25 =	ssub.s32 $0x2, s7;
	s7 =	smul.u32 $0x27100, s7  }
0xa: {  	s13 =	smul.u32 $0x2710, s3;
	s28 =	sshll.u32 s3, $0x6;
	s12 =	sshrl.u32 s25, $0x1  }
0xb: {  	s8 =	sadd.s32 s9, s8;
	s9 =	ssub.s32 s25, s12;
	s26 =	sshrl.u32 s11, $0x2  }
0xc: {  	s29 =	sadd.s32 s13, s7;
	s12 =	simm.s32 $0x2;
	s8 =	sshrl.u32 s8, $0x3  }
0xd: {  	s11 =	sadd.s32 s26, s2;
	s13 =	sadd.s32 $0x4E200, s29;
	s30 =	sshrl.u32 s29, $0x3  }
0xe: {  	s8 =	sadd.s32 s8, s6;
	s6 =	sor.u32 $0x1C02, s28;
	s31 =	sshrl.u32 s13, $0x3  }
0xf: {  	s11 =	sshrl.u32 s11, $0x3;
	s13 =	simm.s32 $0x80;
	s7 =	sadd.s32 $0x3D600, s8  }
0x10: {  	s8 =	smax.u32 s9, $0x1;
	s9 =	sadd.s32 s30, s10;
	s10 =	sadd.s32 s31, s10  }
.LBB2_1:
0x11: {  	[spmem:s11], [sflag:s6] =	dma.local [hbm:s1], $0x2800  }
0x12: {  	_ =	swait.ge [sflag:s12], $0x2800  }
0x13: {  	[sflag:s12] =	ssyncset.done $0x0  }
0x14: {  	[sflag:s12] =	ssyncadd.s32 $0xFFFFD800  }
0x15: {  	s18 =	sadd.s32 $0x0, s9;
	[bflag:$0x0] =	sbarrier.arrive $0xFFFF  }
0x16: {  	[tilespmem:s4], [sflag:$0x2] =	stream.linear.gather [hbm4b:s18+s4], $0x50, $0x38;
	[tilespmem:$0x16900] =	vst v63  }
0x17: {  	_ =	swait.ge [sflag:s12], $0x50  }
0x18: {  	[sflag:s12] =	ssyncset.done $0x0  }
0x19: {  	s31 =	sadd.s32 $0x0, s10;
	[sflag:s12] =	ssyncadd.s32 $0xFFFFFFB0  }
0x1a: {  	[tilespmem:s13], [sflag:$0x2] =	stream.linear.gather [hbm4b:s31+s4], $0x50, $0x38;
	[tilespmem:$0x16900] =	vst v63  }
0x1b: {  	_ =	swait.ge [sflag:s12], $0x50  }
0x1c: {  	[sflag:s12] =	ssyncset.done $0x0  }
0x1d: {  	[sflag:s12] =	ssyncadd.s32 $0xFFFFFFB0  }
0x1e: {  	[tilespmem:s15], [sflag:$0x1] =	stream.indirect.gather [hbm4b:s5+s14], $0x80, s4, s14, $0xb8;
	[tilespmem:$0x16900] =	vst v63  }
0x1f: {  	_ =	swait.ge [sflag:s16], $0x2800  }
0x20: {  	[sflag:s16] =	ssyncset.done $0x0  }
0x21: {  	[sflag:s16] =	ssyncadd.s32 $0xFFFFD800  }
0x22: {  	[spmem:s2] =	stream.indirect.scatter.add.f32 [tilespmem:s15], [sflag:$0x2], $0x80, s13, s14, $0xb8;
	[tilespmem:$0x16900] =	vst v63  }
0x23: {  	_ =	swait.ge [sflag:s12], $0x2800  }
0x24: {  	s19 =	simm.s32 $0x14;
	s18 =	simm.s32 $0xA;
	[sflag:s12] =	ssyncset.done $0x0  }
.LBB2_2:
0x25: {  	s20 =	sadd.s32 s18, s9  }
0x26: {  	[sflag:s12] =	ssyncadd.s32 $0xFFFFD800;
	s21 =	smov.u32 s19;
	s22 =	sadd.s32 $0xA, s19  }
0x27: {  	[tilespmem:s4], [sflag:$0x2] =	stream.linear.gather [hbm4b:s20+s4], $0x50, $0x38;
	[tilespmem:$0x16900] =	vst v63  }
0x28: {  	p0 =	sne.s32 s19, $0x4D8;
	_ =	swait.ge [sflag:s12], $0x50  }
0x29: {  	[sflag:s12] =	ssyncset.done $0x0  }
0x2a: {  	s19 =	sadd.s32 s18, s10;
	s18 =	smov.u32 s21;
	[sflag:s12] =	ssyncadd.s32 $0xFFFFFFB0  }
0x2b: {  	[tilespmem:s13], [sflag:$0x2] =	stream.linear.gather [hbm4b:s19+s4], $0x50, $0x38;
	[tilespmem:$0x16900] =	vst v63  }
0x2c: {  	_ =	swait.ge [sflag:s12], $0x50  }
0x2d: {  	[sflag:s12] =	ssyncset.done $0x0  }
0x2e: {  	[sflag:s12] =	ssyncadd.s32 $0xFFFFFFB0  }
0x2f: {  	[tilespmem:s15], [sflag:$0x1] =	stream.indirect.gather [hbm4b:s5+s14], $0x80, s4, s14, $0xb8;
	[tilespmem:$0x16900] =	vst v63  }
0x30: {  	_ =	swait.ge [sflag:s16], $0x2800  }
.Ltmp0:
0x31: {  	[sflag:s16] =	ssyncset.done $0x0;
	(pc) =	sbr.rel @p0 .LBB2_2-.Ltmp0, $4  }
0x32: {  	[sflag:s16] =	ssyncadd.s32 $0xFFFFD800  }
0x33: {  	[spmem:s2] =	stream.indirect.scatter.add.f32 [tilespmem:s15], [sflag:$0x2], $0x80, s13, s14, $0xb8;
	[tilespmem:$0x16900] =	vst v63  }
0x34: {  	_ =	swait.ge [sflag:s12], $0x2800  }
0x35: {  	s19 =	smov.u32 s22;
	[sflag:s12] =	ssyncset.done $0x0  }
0x36: {  	s19 =	sadd.s32 s18, s9;
	[sflag:s12] =	ssyncadd.s32 $0xFFFFD800  }
0x37: {  	[tilespmem:s4], [sflag:$0x2] =	stream.linear.gather [hbm4b:s19+s4], $0x50, $0x38;
	[tilespmem:$0x16900] =	vst v63  }
0x38: {  	_ =	swait.ge [sflag:s12], $0x50  }
0x39: {  	[sflag:s12] =	ssyncset.done $0x0  }
0x3a: {  	s31 =	sadd.s32 s18, s10;
	[sflag:s12] =	ssyncadd.s32 $0xFFFFFFB0  }
0x3b: {  	[tilespmem:s13], [sflag:$0x2] =	stream.linear.gather [hbm4b:s31+s4], $0x50, $0x38;
	[tilespmem:$0x16900] =	vst v63  }
0x3c: {  	_ =	swait.ge [sflag:s12], $0x50  }
0x3d: {  	[sflag:s12] =	ssyncset.done $0x0  }
0x3e: {  	[sflag:s12] =	ssyncadd.s32 $0xFFFFFFB0  }
0x3f: {  	[tilespmem:s15], [sflag:$0x1] =	stream.indirect.gather [hbm4b:s5+s14], $0x80, s4, s14, $0xb8;
	[tilespmem:$0x16900] =	vst v63  }
0x40: {  	_ =	swait.ge [sflag:s16], $0x2800  }
0x41: {  	[sflag:s16] =	ssyncset.done $0x0  }
0x42: {  	[sflag:s16] =	ssyncadd.s32 $0xFFFFD800  }
0x43: {  	[spmem:s2] =	stream.indirect.scatter.add.f32 [tilespmem:s15], [sflag:$0x2], $0x80, s13, s14, $0xb8;
	[tilespmem:$0x16900] =	vst v63  }
0x44: {  	_ =	swait.ge [sflag:s12], $0x2800  }
0x45: {  	s17 =	sadd.s32 $0x1, s17;
	[sflag:s12] =	ssyncset.done $0x0  }
0x46: {  	p0 =	sne.s32 s17, s8;
	[sflag:s12] =	ssyncadd.s32 $0xFFFFD800  }
.Ltmp1:
0x47: {  	[bflag:$0x0] =	sbarrier.arrive $0xFFFF;
	(pc) =	sbr.rel @p0 .LBB2_1-.Ltmp1, $4  }
0x48: {  	[hbm:s7], [sflag:s6] =	dma.local [spmem:s11], $0x2800  }
0x49: {  	_ =	swait.ge [sflag:s12], $0x2800  }
0x4a: {  	[sflag:s12] =	ssyncset.done $0x0  }
0x4b: {  	[sflag:s12] =	ssyncadd.s32 $0xFFFFD800  }
0x4c: {  	_ =	sfence.sel $0x180000  }
0x4d: {  	[bflag:$0x0] =	sbarrier.arrive $0xFFFF  }
0x4e: {  	p0 =	sne.s32 s3, $0x0;
	_ =	strace $0x9000004D  }
0x4f: {  	s0 =	sadd.s32 @!p0 $0x100000, s0;
	[bflag:$0x2] =	sbarrier.arrive $0xFFFF  }
0x50: {  	[sflag:s0] =	ssyncadd.tile.s32 @!p0 $0x1;
	_ =	shalt  }
.Lfunc_end2:
_tile_overlayer_lowered:
.L_overlay_start_2:
0x51: {  	(tag) =	ssettag $0x2  }
0x52: {  	s0 =	rddreg [dreg:$0x0];
	s2 =	stileid.u32  }
0x53: {  	s1 =	rddreg [dreg:$0x1];
	p0 =	sne.s32 s2, $0x0  }
0x54: {  	s3 =	rddreg [dreg:$0x2];
	[bflag:$0x3] =	sbarrier.arrive $0xFFFF;
	s2 =	simm.s32 @!p0 $0x1C02  }
0x55: {  	[timem:s3], [sflag:s2] =	dma.local @!p0 [hbm:s0], s1  }
0x56: {  	s0 =	simm.s32 @!p0 $0x2  }
0x57: {  	_ =	swait.ge @!p0 [sflag:s0], s1  }
0x58: {  	s1 =	ssub.s32 @!p0 $0x0, s1;
	[sflag:s0] =	ssyncset.done @!p0 $0x0  }
0x59: {  	[sflag:s0] =	ssyncadd.s32 @!p0 s1  }
0x5a: {  	[bflag:$0x3] =	sbarrier.arrive $0xFFFF  }
0x5b: {  	_ =	shalt  }

// kernel: kernel.8.cloned.1.call-start
scs
__scs_entry_jumppad:
0x0: {  	(pc) =	sbr.rel $0x88, $3  }
0x1: {  	(tag) =	ssettag $0x0;
	lr =	simm.s32 $0x1  }
0x2: {  	[smem:$0x3F99] =	sst lr;
	_ =	strace $0xD0000000  }
0x3: {  	_ = 	snop  }
0x4: {  	_ = 	snop  }
0x5: {  	_ = 	snop  }
0x6: {  	_ = 	snop  }
0x7: {  	_ = 	snop  }
__scs_overlays_trampoline_lowered:
0x8: {  	[smem:$0x3FA8] =	sst s0  }
0x9: {  	[smem:$0x3FA9] =	sst s1  }
0xa: {  	[smem:$0x3FAA] =	sst s2  }
0xb: {  	[smem:$0x3FAB] =	sst s3  }
0xc: {  	[smem:$0x3FAC] =	sst s4  }
0xd: {  	[smem:$0x3FAD] =	sst s5  }
0xe: {  	[smem:$0x3FAE] =	sst s6  }
0xf: {  	[smem:$0x3FAF] =	sst s7  }
0x10: {  	[smem:$0x3FB0] =	sst s8  }
0x11: {  	[smem:$0x3FB1] =	sst s9;
	s0 =	simm.s32 @!p0 $0x0  }
0x12: {  	s1 =	sld [smem:$0x3F97];
	s0 =	simm.s32 @p0 $0x1  }
0x13: {  	[smem:$0x3FB2] =	sst s0;
	s0 =	simm.s32 @!p1 $0x0  }
0x14: {  	s2 =	sld [smem:$0x3F96];
	s0 =	simm.s32 @p1 $0x1  }
0x15: {  	[smem:$0x3FB3] =	sst s0;
	s0 =	simm.s32 @!p2 $0x0  }
0x16: {  	s3 =	sld [smem:$0x3FDB];
	s0 =	simm.s32 @p2 $0x1  }
0x17: {  	s4 =	simm.s32 $0x1BF5;
	[smem:$0x3FB5] =	sst s0  }
0x18: {  	s0 =	sld [smem:$0x3F98];
	_ =	swait.ge [sflag:s4], $0x0  }
0x19: {  	s7 =	sld [smem:$0x3F99]  }
0x1a: {  	s8 =	sadd.s32 $0xFFFFE003, lr  }
0x1b: {  	s9 =	sadd.s32 $0xFFFFFEF7, lr;
	s5 =	simm.s32 $0xFFFFFFFF;
	p2 =	slt.u32 s8, $0xFFFFF086  }
0x1c: {  	p1 =	slt.u32 s9, $0xF7A;
	s5 =	simm.s32 @!p2 $0x0  }
0x1d: {  	s5 =	simm.s32 @p1 $0x1;
	p0 =	seq.s32 s7, s2  }
0x1e: {  	s7 =	smul.u32 @!p0 $0xF7A, s2;
	p2 =	seq.s32 @!p0 s5, $0x0  }
0x1f: {  	s9 =	smul.u32 $0xF7A, s1;
	s8 =	simm.s32 @!p0 $0x1BF5;
	p2 =	por !p2, p0  }
0x20: {  	[sflag:s8] =	ssyncset.s32 @!p0 $0xFFFFF086;
	s6 =	sadd.s32 @!p0 s3, s7;
	s7 =	simm.s32 @!p0 $0x108  }
0x21: {  	s3 =	sadd.s32 s3, s9;
	s6 =	sadd.s32 @!p0 $0x88, s6;
	s7 =	simm.s32 @p2 $0x1082  }
0x22: {  	[simem:s7], [sflag:s8] =	dma.local @!p0 [hbm:s6], $0xF7A  }
0x23: {  	s9 =	sor.u32 $0xD0000000, s2;
	s6 =	simm.s32 $0x108;
	_ =	swait.ge @!p0 [sflag:s8], $0x0  }
0x24: {  	s3 =	sadd.s32 $0x88, s3;
	s6 =	simm.s32 @!p1 $0x1082;
	[sflag:s4] =	ssyncset.s32 $0xFFFFF086  }
0x25: {  	[simem:s6], [sflag:s4] =	dma.local [hbm:s3], $0xF7A  }
0x26: {  	[smem:$0x3F99] =	sst s1;
	(tag) =	ssettag s2;
	_ =	strace s9  }
0x27: {  	s1 =	sld [smem:$0x3FA9]  }
0x28: {  	s2 =	sld [smem:$0x3FAA]  }
0x29: {  	s4 =	sld [smem:$0x3FAC]  }
0x2a: {  	p0 =	seq.s32 s5, $0x0;
	s5 =	sld [smem:$0x3FAD]  }
0x2b: {  	s6 =	sld [smem:$0x3FAE]  }
0x2c: {  	s7 =	sld [smem:$0x3FAF]  }
0x2d: {  	s3 =	simm.s32 $0x108;
	s8 =	sld [smem:$0x3FB0]  }
0x2e: {  	s3 =	simm.s32 @!p0 $0x1082;
	s9 =	sld [smem:$0x3FB1]  }
0x2f: {  	lr =	sadd.s32 s0, s3;
	s0 =	sld [smem:$0x3FA8]  }
0x30: {  	s3 =	sld [smem:$0x3FAB]  }
0x31: {  	[smem:$0x3FB4] =	sst s10  }
0x32: {  	s10 =	sld [smem:$0x3FB2];
	_ =	sdelay $0x3  }
0x33: {  	p0 =	seq.s32 s10, $0x1;
	s10 =	sld [smem:$0x3FB4];
	_ =	sdelay $0x3  }
0x34: {  	[smem:$0x3FB4] =	sst s10  }
0x35: {  	s10 =	sld [smem:$0x3FB3];
	_ =	sdelay $0x3  }
0x36: {  	p1 =	seq.s32 s10, $0x1;
	s10 =	sld [smem:$0x3FB4];
	_ =	sdelay $0x3  }
0x37: {  	[smem:$0x3FB4] =	sst s10  }
0x38: {  	s10 =	sld [smem:$0x3FB5]  }
0x39: {  	_ = 	snop;
	(pc) =	sbr.ind lr, $3  }
0x3a: {  	_ = 	snop  }
0x3b: {  	_ = 	snop  }
0x3c: {  	p2 =	seq.s32 s10, $0x1;
	s10 =	sld [smem:$0x3FB4]  }
0x3d: {  	_ =	shalt  }
0x3e: {  	_ =	shalt  }
0x3f: {  	_ =	shalt  }
0x40: {  	_ =	shalt  }
0x41: {  	_ =	shalt  }
0x42: {  	_ =	shalt  }
0x43: {  	_ =	shalt  }
0x44: {  	_ =	shalt  }
0x45: {  	_ =	shalt  }
0x46: {  	_ =	shalt  }
0x47: {  	_ =	shalt  }
0x48: {  	_ =	shalt  }
0x49: {  	_ =	shalt  }
0x4a: {  	_ =	shalt  }
0x4b: {  	_ =	shalt  }
0x4c: {  	_ =	shalt  }
0x4d: {  	_ =	shalt  }
0x4e: {  	_ =	shalt  }
0x4f: {  	_ =	shalt  }
0x50: {  	_ =	shalt  }
0x51: {  	_ =	shalt  }
0x52: {  	_ =	shalt  }
0x53: {  	_ =	shalt  }
0x54: {  	_ =	shalt  }
0x55: {  	_ =	shalt  }
0x56: {  	_ =	shalt  }
0x57: {  	_ =	shalt  }
0x58: {  	_ =	shalt  }
0x59: {  	_ =	shalt  }
0x5a: {  	_ =	shalt  }
0x5b: {  	_ =	shalt  }
0x5c: {  	_ =	shalt  }
0x5d: {  	_ =	shalt  }
0x5e: {  	_ =	shalt  }
0x5f: {  	_ =	shalt  }
0x60: {  	_ =	shalt  }
0x61: {  	_ =	shalt  }
0x62: {  	_ =	shalt  }
0x63: {  	_ =	shalt  }
0x64: {  	_ =	shalt  }
0x65: {  	_ =	shalt  }
0x66: {  	_ =	shalt  }
0x67: {  	_ =	shalt  }
0x68: {  	_ =	shalt  }
0x69: {  	_ =	shalt  }
0x6a: {  	_ =	shalt  }
0x6b: {  	_ =	shalt  }
0x6c: {  	_ =	shalt  }
0x6d: {  	_ =	shalt  }
0x6e: {  	_ =	shalt  }
0x6f: {  	_ =	shalt  }
0x70: {  	_ =	shalt  }
0x71: {  	_ =	shalt  }
0x72: {  	_ =	shalt  }
0x73: {  	_ =	shalt  }
0x74: {  	_ =	shalt  }
0x75: {  	_ =	shalt  }
0x76: {  	_ =	shalt  }
0x77: {  	_ =	shalt  }
0x78: {  	_ =	shalt  }
0x79: {  	_ =	shalt  }
0x7a: {  	_ =	shalt  }
0x7b: {  	_ =	shalt  }
0x7c: {  	_ =	shalt  }
0x7d: {  	_ =	shalt  }
0x7e: {  	_ =	shalt  }
0x7f: {  	_ =	shalt  }
0x80: {  	_ =	shalt  }
0x81: {  	_ =	shalt  }
0x82: {  	_ =	shalt  }
0x83: {  	_ =	shalt  }
0x84: {  	_ =	shalt  }
0x85: {  	_ =	shalt  }
0x86: {  	_ =	shalt  }
0x87: {  	_ =	shalt  }
.Lfunc_end0:
.L_simem_size_0:
called_computation_lowered:
.L_overlay_start_0:
0x88: {  	s2 =	sld [smem:$0x3FD9]  }
0x89: {  	s3 =	sld [smem:$0x3FFE];
	_ =	sdelay $0x1  }
0x8a: {  	s1 =	srdreg.scid  }
0x8b: {  	s0 =	sand.u32 $0x1, s1  }
0x8c: {  	s17 =	sshll.u32 s0, $0xA;
	s2 =	sadd.s32 s3, s2  }
0x8d: {  	s2 =	sadd.s32 s2, s17  }
0x8e: {  	[smem:$0x3FC0] =	sst s2  }
0x8f: {  	_ = 	snop  }
0x90: {  	s2 =	sld [smem:$0x3FD0];
	(tm) =	ssettm $0x1  }
0x91: {  	s18 =	sld [smem:$0x3FFB];
	_ =	sdelay $0x3  }
0x92: {  	_ =	strace s18  }
0x93: {  	s3 =	sld [smem:$0x3FFC];
	_ =	sdelay $0x3  }
0x94: {  	_ =	strace s3  }
0x95: {  	s3 =	sld [smem:$0x3FFD];
	_ =	sdelay $0x3  }
0x96: {  	_ =	strace s3  }
0x97: {  	_ =	strace $0x8FFFFFFF  }
0x98: {  	s19 =	sld [smem:$0x3FDB];
	_ =	sdelay $0x1  }
0x99: {  	s4 =	simm.s32 $_scs_section_size  }
0x9a: {  	s5 =	simm.s32 $_size__tile_overlayer_lowered;
	s6 =	simm.s32 $_tile_overlayer_lowered  }
0x9b: {  	s22 =	simm.s32 $0x1BFF;
	s21 =	sshll.u32 s6, $0x1;
	s3 =	sadd.s32 s4, s19  }
0x9c: {  	s7 =	simm.s32 $0x0;
	s20 =	sshll.u32 s5, $0x1;
	s5 =	sadd.s32 s21, s3  }
0x9d: {  	[timem:s7], [sflag:s22] =	dma.local [hbm:s5], s20  }
0x9e: {  	_ =	swait.ge [sflag:s22], s20  }
0x9f: {  	s4 =	ssub.s32 $0x0, s20;
	[sflag:s22] =	ssyncset.done $0x0  }
0xa0: {  	[sflag:s22] =	ssyncadd.s32 s4;
	_ =	sdelay $0x1  }
0xa1: {  	s23 =	simm.s32 $0x1B8B  }
0xa2: {  	_ =	swait.ge [sflag:s23], $0x1  }
0xa3: {  	[sflag:s23] =	ssyncset.done $0x0  }
0xa4: {  	s25 =	simm.s32 $0x1B8E;
	s24 =	sld [smem:$0x3FFE];
	[sflag:s23] =	ssyncadd.s32 $0xFFFFFFFF  }
0xa5: {  	s26 =	simm.s32 $execute0_lowered;
	[smem:$0x3FD2] =	sst s25  }
0xa6: {  	s5 =	sshll.u32 s26, $0x1;
	_ =	strace $0x80000046;
	[dreg:$0x1] =	wrdreg $0xFFFFFFFF  }
0xa7: {  	s28 =	simm.s32 $_size_execute0_lowered;
	s3 =	sadd.s32 s3, s5;
	[dreg:$0x0] =	wrdreg $0x0  }
0xa8: {  	s5 =	sshll.u32 s28, $0x1;
	[dreg:$0x2] =	wrdreg s3  }
0xa9: {  	[dreg:$0x3] =	wrdreg s5  }
0xaa: {  	[dreg:$0x4] =	wrdreg $0xC0  }
0xab: {  	_ =	task [dreg:s7], $0x5FFFF  }
0xac: {  	[dreg:$0x1] =	wrdreg $0xFFFFFFFF  }
0xad: {  	[dreg:$0x0] =	wrdreg $0x60  }
0xae: {  	[dreg:$0x2] =	wrdreg s24  }
0xaf: {  	[dreg:$0x3] =	wrdreg s2  }
0xb0: {  	[dreg:$0x4] =	wrdreg $0x3800  }
0xb1: {  	[dreg:$0x5] =	wrdreg $0x9  }
0xb2: {  	_ =	task.clear_ibuf [dreg:s7], $0x6FFFF;
	_ =	strace $0x90000046  }
0xb3: {  	s29 =	simm.s32 $0x9;
	_ =	strace $0x80000048  }
0xb4: {  	_ =	swait.ge [sflag:s29], $0x1  }
0xb5: {  	[sflag:s29] =	ssyncadd.s32 $0xFFFFFFFF  }
0xb6: {  	_ =	strace $0x90000048  }
0xb7: {  	_ =	sfence  }
0xb8: {  	s30 =	sld [smem:$0x0];
	_ =	sdelay $0x2  }
0xb9: {  	s31 =	sshll.u32 s1, $0xD;
	s1 =	sshrl.u32 s1, $0x2  }
0xba: {  	s3 =	sand.u32 $0x4000, s31;
	s1 =	sadd.s32 s1, s30  }
0xbb: {  	s0 =	sor.u32 s3, s0;
	s1 =	sshll.u32 s1, $0x11  }
0xbc: {  	s0 =	sor.u32 s1, s0  }
0xbd: {  	s0 =	sadd.s32 $0x8F2B, s0  }
0xbe: {  	[sflag:s0] =	ssyncadd.remote.s32 $0x1  }
0xbf: {  	_ =	sfence.sel $0xFFFF  }
0xc0: {  	[dreg:$0x0] =	wrdreg $0xFFFFFFFF;
	(pc) =	sbr.abs _section_cstart, $3  }
0xc1: {  	[dreg:$0x1] =	wrdreg $0xFFFFFFFF  }
0xc2: {  	_ =	task.clear_ibuf [dreg:s7], $0x2FFFF;
	_ =	strace $0x9FFFFFFF  }
0xc3: {  	(tm) =	ssettm $0x7FFFFFFF  }
tec
execute0_lowered:
.L_overlay_start_1:
0x0: {  	(tag) =	ssettag $0x1  }
0x1: {  	s4 =	rddreg [dreg:$0x0]  }
0x2: {  	s5 =	rddreg [dreg:$0x1]  }
0x3: {  	s0 =	srdreg.scid;
	s2 =	rddreg [dreg:$0x2]  }
0x4: {  	s1 =	rddreg [dreg:$0x3];
	s6 =	sand.u32 $0x1, s0  }
0x5: {  	s3 =	simm.s32 $0x0;
	s0 =	stileid.u32;
	s7 =	smul.u32 $0x27100, s6  }
0x6: {  	s11 =	simm.s32 $0x80;
	s14 =	simm.s32 $0x20;
	s8 =	smul.u32 $0x2710, s0  }
0x7: {  	s15 =	simm.s32 $0x10;
	[smem:$0x7FF] =	sst s3;
	s28 =	smul.u32 $0x500, s0  }
0x8: {  	s16 =	simm.s32 $0x0;
	_ =	strace $0x80000047;
	s9 =	smul.u32 $0xA00, s0  }
0x9: {  	s10 =	sshll.u32 s6, $0x7;
	s29 =	ssub.s32 $0x2, s6;
	s12 =	sshll.u32 s0, $0x6  }
0xa: {  	s31 =	sshrl.u32 s29, $0x1;
	s12 =	sor.u32 $0x1C01, s12;
	s7 =	sadd.s32 s8, s7  }
0xb: {  	s30 =	sor.u32 s10, s28;
	s9 =	sshrl.u32 s9, $0x2;
	s8 =	ssub.s32 s29, s31  }
0xc: {  	s10 =	simm.s32 $0x50;
	s7 =	sadd.s32 $0x4E200, s7;
	s6 =	sshrl.u32 s30, $0x3  }
0xd: {  	s7 =	sshrl.u32 s7, $0x3;
	s5 =	sadd.s32 s5, s6;
	s6 =	smax.u32 s8, $0x1  }
0xe: {  	s8 =	simm.s32 $0x100;
	s7 =	sadd.s32 s7, s4;
	s4 =	sadd.s32 s9, s2  }
0xf: {  	v0 =	vimm.f32 $1.000000000e+00;
	v1 =	vimm.f32 $0.0e+00;
	s9 =	simm.s32 $0x1;
	s7 =	sadd.s32 $0x2A00, s7;
	s13 =	sshrl.u32 s4, $0x3  }
.LBB2_1:
0x10: {  	[tilespmem:$0x80] =	vst v0  }
0x11: {  	[tilespmem:$0x90] =	vst v0  }
0x12: {  	[tilespmem:$0xA0] =	vst v0  }
0x13: {  	[tilespmem:$0xB0] =	vst v0  }
0x14: {  	[tilespmem:$0xC0] =	vst v0  }
0x15: {  	[tilespmem:$0x100] =	vst v1  }
0x16: {  	[tilespmem:$0x110] =	vst v1  }
0x17: {  	[tilespmem:$0x120] =	vst v1  }
0x18: {  	[tilespmem:$0x130] =	vst v1  }
0x19: {  	[tilespmem:$0x140] =	vst v1  }
0x1a: {  	[tilespmem:$0x150] =	vst v1  }
0x1b: {  	[tilespmem:$0x160] =	vst v1  }
0x1c: {  	[tilespmem:$0x170] =	vst v1  }
0x1d: {  	[tilespmem:$0x180] =	vst v1  }
0x1e: {  	[tilespmem:$0x190] =	vst v1  }
0x1f: {  	[tilespmem:$0x1A0] =	vst v1  }
0x20: {  	[tilespmem:$0x1B0] =	vst v1  }
0x21: {  	[tilespmem:$0x1C0] =	vst v1  }
0x22: {  	[tilespmem:$0x1D0] =	vst v1  }
0x23: {  	[tilespmem:$0x1E0] =	vst v1  }
0x24: {  	[tilespmem:$0x1F0] =	vst v1  }
0x25: {  	[tilespmem:$0x200] =	vst v1  }
0x26: {  	[tilespmem:$0x210] =	vst v1  }
0x27: {  	[tilespmem:$0x220] =	vst v1  }
0x28: {  	[tilespmem:$0x230] =	vst v1  }
0x29: {  	[tilespmem:$0x240] =	vst v1  }
0x2a: {  	[tilespmem:$0x250] =	vst v1  }
0x2b: {  	[tilespmem:$0x260] =	vst v1  }
0x2c: {  	[tilespmem:$0x270] =	vst v1  }
0x2d: {  	[tilespmem:$0x280] =	vst v1  }
0x2e: {  	[tilespmem:$0x290] =	vst v1  }
0x2f: {  	[tilespmem:$0x2A0] =	vst v1  }
0x30: {  	[tilespmem:$0x2B0] =	vst v1  }
0x31: {  	[tilespmem:$0x2C0] =	vst v1  }
0x32: {  	[tilespmem:$0x2D0] =	vst v1  }
0x33: {  	[tilespmem:$0x2E0] =	vst v1  }
0x34: {  	[tilespmem:$0x2F0] =	vst v1  }
0x35: {  	[tilespmem:$0x300] =	vst v1  }
0x36: {  	[tilespmem:$0x310] =	vst v1  }
0x37: {  	[tilespmem:$0x320] =	vst v1  }
0x38: {  	[tilespmem:$0x330] =	vst v1  }
0x39: {  	[tilespmem:$0x340] =	vst v1  }
0x3a: {  	[tilespmem:$0x350] =	vst v1  }
0x3b: {  	[tilespmem:$0x360] =	vst v1  }
0x3c: {  	[tilespmem:$0x370] =	vst v1  }
0x3d: {  	[spmem:s4] =	stream.linear.scatter [tilespmem:s8], [sflag:$0x1], $0x280, $0x38;
	[tilespmem:$0x600] =	vst v63  }
0x3e: {  	_ =	swait.ge [sflag:s9], $0x280  }
0x3f: {  	[sflag:s9] =	ssyncset.done $0x0  }
0x40: {  	[sflag:s9] =	ssyncadd.s32 $0xFFFFFD80  }
0x41: {  	s17 =	sadd.s32 $0x0, s7;
	[bflag:$0x0] =	sbarrier.arrive $0xFFFF  }
0x42: {  	[tilespmem:s3], [sflag:$0x1] =	stream.linear.gather [hbm4b:s17+s3], $0x50, $0x38;
	[tilespmem:$0x600] =	vst v63  }
0x43: {  	_ =	swait.ge [sflag:s9], $0x50  }
0x44: {  	[sflag:s9] =	ssyncset.done $0x0  }
0x45: {  	[sflag:s9] =	ssyncadd.s32 $0xFFFFFFB0  }
0x46: {  	[spmem:s2] =	stream.indirect.scatter.add.f32 [tilespmem:s11], [sflag:$0x1], $0x1, s3, s10, $0xb8;
	[tilespmem:$0x600] =	vst v63  }
0x47: {  	_ =	swait.ge [sflag:s9], $0x50  }
0x48: {  	s18 =	simm.s32 $0x14;
	s17 =	simm.s32 $0xA;
	[sflag:s9] =	ssyncset.done $0x0  }
.LBB2_2:
0x49: {  	s19 =	sadd.s32 s17, s7  }
0x4a: {  	[sflag:s9] =	ssyncadd.s32 $0xFFFFFFB0;
	s17 =	smov.u32 s18;
	s20 =	sadd.s32 $0xA, s18  }
0x4b: {  	[tilespmem:s3], [sflag:$0x1] =	stream.linear.gather [hbm4b:s19+s3], $0x50, $0x38;
	[tilespmem:$0x600] =	vst v63  }
0x4c: {  	p0 =	sne.s32 s18, $0x4D8;
	_ =	swait.ge [sflag:s9], $0x50  }
.Ltmp0:
0x4d: {  	[sflag:s9] =	ssyncset.done $0x0;
	(pc) =	sbr.rel @p0 .LBB2_2-.Ltmp0, $4  }
0x4e: {  	[sflag:s9] =	ssyncadd.s32 $0xFFFFFFB0  }
0x4f: {  	[spmem:s2] =	stream.indirect.scatter.add.f32 [tilespmem:s11], [sflag:$0x1], $0x1, s3, s10, $0xb8;
	[tilespmem:$0x600] =	vst v63  }
0x50: {  	_ =	swait.ge [sflag:s9], $0x50  }
0x51: {  	s18 =	smov.u32 s20;
	[sflag:s9] =	ssyncset.done $0x0  }
0x52: {  	s17 =	sadd.s32 s17, s7;
	[sflag:s9] =	ssyncadd.s32 $0xFFFFFFB0  }
0x53: {  	[tilespmem:s3], [sflag:$0x1] =	stream.linear.gather [hbm4b:s17+s3], $0x50, $0x38;
	[tilespmem:$0x600] =	vst v63  }
0x54: {  	_ =	swait.ge [sflag:s9], $0x50  }
0x55: {  	[sflag:s9] =	ssyncset.done $0x0  }
0x56: {  	[sflag:s9] =	ssyncadd.s32 $0xFFFFFFB0  }
0x57: {  	[spmem:s2] =	stream.indirect.scatter.add.f32 [tilespmem:s11], [sflag:$0x1], $0x1, s3, s10, $0xb8;
	[tilespmem:$0x600] =	vst v63  }
0x58: {  	_ =	swait.ge [sflag:s9], $0x50  }
0x59: {  	s16 =	sadd.s32 $0x1, s16;
	[sflag:s9] =	ssyncset.done $0x0  }
0x5a: {  	p0 =	sne.s32 s16, s6;
	[sflag:s9] =	ssyncadd.s32 $0xFFFFFFB0  }
.Ltmp1:
0x5b: {  	[bflag:$0x0] =	sbarrier.arrive $0xFFFF;
	(pc) =	sbr.rel @p0 .LBB2_1-.Ltmp1, $4  }
0x5c: {  	[hbm:s5@s14], [sflag:s12] =	dma.strided [spmem:s13@s15], $0x50, s9, $0x10   }
0x5d: {  	_ =	swait.ge [sflag:s9], $0x50  }
0x5e: {  	[sflag:s9] =	ssyncset.done $0x0  }
0x5f: {  	[sflag:s9] =	ssyncadd.s32 $0xFFFFFFB0  }
0x60: {  	_ =	sfence.sel $0x180000  }
0x61: {  	[bflag:$0x0] =	sbarrier.arrive $0xFFFF  }
0x62: {  	p0 =	sne.s32 s0, $0x0;
	_ =	strace $0x90000047  }
0x63: {  	s0 =	sadd.s32 @!p0 $0x100000, s1;
	[bflag:$0x2] =	sbarrier.arrive $0xFFFF  }
0x64: {  	[sflag:s0] =	ssyncadd.tile.s32 @!p0 $0x1;
	_ =	shalt  }
.Lfunc_end2:
_tile_overlayer_lowered:
.L_overlay_start_2:
0x65: {  	(tag) =	ssettag $0x2  }
0x66: {  	s0 =	rddreg [dreg:$0x0];
	s2 =	stileid.u32  }
0x67: {  	s1 =	rddreg [dreg:$0x1];
	p0 =	sne.s32 s2, $0x0  }
0x68: {  	s3 =	rddreg [dreg:$0x2];
	[bflag:$0x3] =	sbarrier.arrive $0xFFFF;
	s2 =	simm.s32 @!p0 $0x1C01  }
0x69: {  	[timem:s3], [sflag:s2] =	dma.local @!p0 [hbm:s0], s1  }
0x6a: {  	s0 =	simm.s32 @!p0 $0x1  }
0x6b: {  	_ =	swait.ge @!p0 [sflag:s0], s1  }
0x6c: {  	s1 =	ssub.s32 @!p0 $0x0, s1;
	[sflag:s0] =	ssyncset.done @!p0 $0x0  }
0x6d: {  	[sflag:s0] =	ssyncadd.s32 @!p0 s1  }
0x6e: {  	[bflag:$0x3] =	sbarrier.arrive $0xFFFF  }
0x6f: {  	_ =	shalt  }

</sc_bundles>
